<compile_context>
chip_gen: v7x
topology: tpu7x:2x2x1
jax: 0.10.2.dev20260603
libtpu: 0.0.44.dev20260713+nightly
codegen_flags: <defaults>
</compile_context>

<pallas_src>
import functools

import jax
import jax.numpy as jnp
from jax import lax
from jax.experimental import pallas as pl
from jax.experimental.pallas import tpu as pltpu
from jax.experimental.pallas import tpu_sc as plsc

N_CORES = 2
N_SUBCORES = 16
CHUNK = 128
F = 128
FH = F // 2
CNT_W = 16


def _sc_aggregate(h_lo, h_hi, src3, dst3, n_nodes, n_pad):
    n_chunks = src3.shape[1]
    rows_per_tile = n_pad // N_SUBCORES
    zrows = rows_per_tile // 5

    mesh = plsc.VectorSubcoreMesh(core_axis_name="c", subcore_axis_name="s")

    @functools.partial(
        pl.kernel,
        out_type=[
            jax.ShapeDtypeStruct((N_CORES, n_pad, FH), jnp.float32),
            jax.ShapeDtypeStruct((N_CORES, n_pad, CNT_W), jnp.float32),
        ],
        mesh=mesh,
        scratch_types=[
            pltpu.VMEM((n_chunks, CHUNK), jnp.int32),
            pltpu.VMEM((n_chunks, CHUNK), jnp.int32),
            pltpu.VMEM((CHUNK, FH), jnp.float32),
            pltpu.VMEM((CHUNK, FH), jnp.float32),
            pltpu.VMEM((CHUNK, CNT_W), jnp.float32),
            pltpu.VMEM((zrows, FH), jnp.float32),
            pltpu.VMEM((zrows, CNT_W), jnp.float32),
            pltpu.VMEM_SHARED((n_pad, FH), jnp.float32),
            pltpu.VMEM_SHARED((n_pad, CNT_W), jnp.float32),
            pltpu.SemaphoreType.DMA,
            pltpu.SemaphoreType.DMA,
        ],
        compiler_params=pltpu.CompilerParams(use_tc_tiling_on_sc=False),
    )
    def agg(hlo_hbm, hhi_hbm, src_hbm, dst_hbm, acc_hbm, cnt_hbm,
            srcv, dstv, rows0, rows1, ones_v, zrow_v, zcnt_v,
            acc_sh, cnt_sh, sem0, sem1):
        c = lax.axis_index("c")
        s = lax.axis_index("s")

        pltpu.sync_copy(src_hbm.at[s], srcv)
        pltpu.sync_copy(dst_hbm.at[s], dstv)

        @pl.loop(0, CHUNK)
        def _(i):
            ones_v[i, :] = jnp.full((CNT_W,), 1.0, jnp.float32)

        @pl.loop(0, zrows)
        def _(i):
            for j in range(FH // 16):
                zrow_v[i, pl.ds(j * 16, 16)] = jnp.zeros((16,), jnp.float32)
            zcnt_v[i, :] = jnp.zeros((CNT_W,), jnp.float32)

        for j in range(rows_per_tile // zrows):
            r0 = s * rows_per_tile + j * zrows
            pltpu.sync_copy(zrow_v, acc_sh.at[pl.ds(r0, zrows)])
            pltpu.sync_copy(zcnt_v, cnt_sh.at[pl.ds(r0, zrows)])
        plsc.subcore_barrier()

        def run(h_half_hbm, parity):
            def fire(i, buf, sem):
                pltpu.async_copy(h_half_hbm.at[srcv.at[i]], buf, sem)

            def drain(i, buf, sem):
                pltpu.make_async_copy(h_half_hbm.at[srcv.at[i]], buf, sem).wait()

            def scat(i, buf, count):
                pltpu.sync_copy(buf, acc_sh.at[dstv.at[i]], add=True)
                if count:
                    pltpu.sync_copy(ones_v, cnt_sh.at[dstv.at[i]], add=True)

            fire(0, rows0, sem0)
            fire(1, rows1, sem1)

            @pl.loop(0, n_chunks - 2, step=2)
            def _(i):
                drain(i, rows0, sem0)
                scat(i, rows0, parity == 0)
                fire(i + 2, rows0, sem0)
                drain(i + 1, rows1, sem1)
                scat(i + 1, rows1, parity == 1)
                fire(i + 3, rows1, sem1)

            drain(n_chunks - 2, rows0, sem0)
            scat(n_chunks - 2, rows0, parity == 0)
            drain(n_chunks - 1, rows1, sem1)
            scat(n_chunks - 1, rows1, parity == 1)

        @pl.when(c == 0)
        def _():
            run(hlo_hbm, 0)

        @pl.when(c == 1)
        def _():
            run(hhi_hbm, 1)

        plsc.subcore_barrier()

        r0 = s * rows_per_tile
        pltpu.sync_copy(acc_sh.at[pl.ds(r0, rows_per_tile)],
                        acc_hbm.at[c, pl.ds(r0, rows_per_tile)])
        pltpu.sync_copy(cnt_sh.at[pl.ds(r0, rows_per_tile)],
                        cnt_hbm.at[c, pl.ds(r0, rows_per_tile)])

    return agg(h_lo, h_hi, src3, dst3)


def _tc_combine(h, acc, cnt, w1t, w2t, b2):
    n = h.shape[0]
    br = 1000
    grid = (n // br,)

    def body(h_ref, acc_ref, cnt_ref, w1_ref, w2_ref, b_ref, o_ref):
        a = jnp.concatenate([acc_ref[0], acc_ref[1]], axis=1)
        cn = cnt_ref[0, :, 0:1] + cnt_ref[1, :, 0:1]
        inv = 1.0 / jnp.maximum(cn, 1.0)
        hn = a * inv
        t1 = jnp.dot(h_ref[...], w1_ref[...], preferred_element_type=jnp.float32)
        t2 = jnp.dot(hn, w2_ref[...], preferred_element_type=jnp.float32)
        o_ref[...] = t1 + t2 + b_ref[...]

    return pl.pallas_call(
        body,
        grid=grid,
        in_specs=[
            pl.BlockSpec((br, F), lambda i: (i, 0)),
            pl.BlockSpec((N_CORES, br, FH), lambda i: (0, i, 0)),
            pl.BlockSpec((N_CORES, br, CNT_W), lambda i: (0, i, 0)),
            pl.BlockSpec((F, F), lambda i: (0, 0)),
            pl.BlockSpec((F, F), lambda i: (0, 0)),
            pl.BlockSpec((1, F), lambda i: (0, 0)),
        ],
        out_specs=pl.BlockSpec((br, F), lambda i: (i, 0)),
        out_shape=jax.ShapeDtypeStruct((n, F), jnp.float32),
    )(h, acc, cnt, w1t, w2t, b2)


def kernel(h, edge_index, W, b):
    n_nodes, f_in = h.shape
    n_edges = edge_index.shape[1]
    n_pad = ((n_nodes + 40 * N_SUBCORES - 1) // (40 * N_SUBCORES)) * 40 * N_SUBCORES

    per_tile = n_edges // N_SUBCORES
    n_chunks = -(-per_tile // CHUNK)
    if n_chunks % 2:
        n_chunks += 1
    pad = n_chunks * CHUNK - per_tile

    src = edge_index[0].reshape(N_SUBCORES, per_tile)
    dst = edge_index[1].reshape(N_SUBCORES, per_tile)
    if pad:
        pad_src = jnp.zeros((N_SUBCORES, pad), jnp.int32)
        spread = n_pad - n_nodes
        lanes = (jnp.arange(N_SUBCORES, dtype=jnp.int32)[:, None] * 37
                 + jnp.arange(pad, dtype=jnp.int32)[None, :])
        pad_dst = n_nodes + lanes % spread
        src = jnp.concatenate([src, pad_src], axis=1)
        dst = jnp.concatenate([dst, pad_dst], axis=1)
    src3 = src.reshape(N_SUBCORES, n_chunks, CHUNK)
    dst3 = dst.reshape(N_SUBCORES, n_chunks, CHUNK)

    h_lo = h[:, :FH]
    h_hi = h[:, FH:]
    w1t = W[:, :f_in].T
    w2t = W[:, f_in:].T
    b2 = b.reshape(1, -1)
    acc, cnt = _sc_aggregate(h_lo, h_hi, src3, dst3, n_nodes, n_pad)
    return _tc_combine(h, acc, cnt, w1t, w2t, b2)

# --- scband reference (transcript-rebuilt; emitter-appended) ---
"""Pipeline reference for scband-custom-graph-conv-34333968564341 (READ-ONLY COPY).

The authoritative reference and input builder live on the scoring server;
editing this copy changes nothing except your own understanding.
"""

import jax, jax.numpy as jnp
import numpy as np

N_NODES = 10000
N_EDGES = 320000
F_IN = 128
F_OUT = 128


def setup_inputs(seed: int = 0) -> dict:
    key = jax.random.key(seed)
    k1, k2, k3, k4 = jax.random.split(key, 4)
    h = jax.random.normal(k1, (N_NODES, F_IN), dtype=jnp.float32)
    edge_index = jax.random.randint(k2, (2, N_EDGES), 0, N_NODES, dtype=jnp.int32)
    # nn.Linear(in_feats*2, out_feats): weight [F_OUT, 2*F_IN], bias [F_OUT]
    bound = 1.0 / np.sqrt(2 * F_IN)
    W = jax.random.uniform(k3, (F_OUT, 2 * F_IN), minval=-bound, maxval=bound, dtype=jnp.float32)
    b = jax.random.uniform(k4, (F_OUT,), minval=-bound, maxval=bound, dtype=jnp.float32)
    return {"h": h, "edge_index": edge_index, "W": W, "b": b}


def reference(h, edge_index, W, b):
    # Homogeneous graph case: h_src = h_dst = h
    src = edge_index[0]
    dst = edge_index[1]
    # update_all(copy_u('h','m'), mean('m','h_neigh')): mean of src features over incoming edges per dst node
    msgs = jnp.take(h, src, axis=0)
    summed = jax.ops.segment_sum(msgs, dst, num_segments=N_NODES)
    cnt = jax.ops.segment_sum(jnp.ones((edge_index.shape[1],), dtype=h.dtype), dst, num_segments=N_NODES)
    h_neigh = summed / jnp.clip(cnt, 1.0)[:, None]  # zero in-degree nodes -> 0, matching DGL mean
    cat = jnp.concatenate([h, h_neigh], axis=1)
    return cat @ W.T + b

if __name__ == "__main__":
    import jax
    _d = setup_inputs()
    print(jax.jit(kernel)(*tuple(_d.values())))

</pallas_src>

<mosaic_0001>
#map = affine_map<(d0, d1) -> (0, 0)>
#map1 = affine_map<(d0, d1) -> (0, 0, 0)>
module attributes {stable_mosaic.version = 14 : i64} {
  func.func @agg(%arg0: i32, %arg1: i32, %arg2: memref<10000x64xf32, #tpu.memory_space<hbm>>, %arg3: memref<10000x64xf32, #tpu.memory_space<hbm>>, %arg4: memref<16x158x128xi32, #tpu.memory_space<hbm>>, %arg5: memref<16x158x128xi32, #tpu.memory_space<hbm>>, %arg6: memref<2x10240x64xf32, #tpu.memory_space<hbm>>, %arg7: memref<2x10240x16xf32, #tpu.memory_space<hbm>>, %arg8: memref<158x128xi32, #tpu.memory_space<vmem>>, %arg9: memref<158x128xi32, #tpu.memory_space<vmem>>, %arg10: memref<128x64xf32, #tpu.memory_space<vmem>>, %arg11: memref<128x64xf32, #tpu.memory_space<vmem>>, %arg12: memref<128x16xf32, #tpu.memory_space<vmem>>, %arg13: memref<128x64xf32, #tpu.memory_space<vmem>>, %arg14: memref<128x16xf32, #tpu.memory_space<vmem>>, %arg15: memref<10240x64xf32, #tpu.memory_space<vmem_shared>>, %arg16: memref<10240x16xf32, #tpu.memory_space<vmem_shared>>, %arg17: memref<!tpu.dma_semaphore, #tpu.memory_space<semaphore_mem>>, %arg18: memref<!tpu.dma_semaphore, #tpu.memory_space<semaphore_mem>>) attributes {dimension_semantics = [#tpu.dimension_semantics<core_parallel>, #tpu.dimension_semantics<subcore_parallel>], iteration_bounds = array<i64: 2, 16>, scalar_prefetch = 0 : i64, scratch_operands = 11 : i64, tpu.core_type = #tpu.core_type<sc_vector_subcore>, window_params = [{transform_indices = #map}, {transform_indices = #map}, {transform_indices = #map1}, {transform_indices = #map1}, {transform_indices = #map1}, {transform_indices = #map1}]} {
    "tpu.region"() ({
      %run_scoped3A = tpu.sem_alloc : memref<!tpu.dma_semaphore, #tpu.memory_space<semaphore_mem>>
      %dma_start3A = arith.constant 0 : i32
      %dma_start3A_37 = arith.constant 0 : i32
      %dma_start3A_38 = tpu.memref_slice %arg4[%arg1, %dma_start3A, %dma_start3A_37] : memref<16x158x128xi32, #tpu.memory_space<hbm>> -> memref<1x158x128xi32, #tpu.memory_space<hbm>>
      %dma_start3A_39 = tpu.memref_squeeze %dma_start3A_38 : memref<1x158x128xi32, #tpu.memory_space<hbm>> -> memref<158x128xi32, #tpu.memory_space<hbm>>
      %dma_start3A_40 = arith.constant 0 : i32
      %dma_start3A_41 = arith.constant 0 : i32
      %dma_start3A_42 = tpu.memref_slice %arg4[%arg1, %dma_start3A_40, %dma_start3A_41] : memref<16x158x128xi32, #tpu.memory_space<hbm>> -> memref<1x158x128xi32, #tpu.memory_space<hbm>>
      %dma_start3A_43 = tpu.memref_squeeze %dma_start3A_42 : memref<1x158x128xi32, #tpu.memory_space<hbm>> -> memref<158x128xi32, #tpu.memory_space<hbm>>
      tpu.enqueue_dma source(%dma_start3A_43 : memref<158x128xi32, #tpu.memory_space<hbm>>) target(%arg8 : memref<158x128xi32, #tpu.memory_space<vmem>>) target_semaphore(%run_scoped3A : memref<!tpu.dma_semaphore, #tpu.memory_space<semaphore_mem>>)
      %dma_wait3A = arith.constant 0 : i32
      %dma_wait3A_44 = arith.constant 0 : i32
      %dma_wait3A_45 = tpu.memref_slice %arg4[%arg1, %dma_wait3A, %dma_wait3A_44] : memref<16x158x128xi32, #tpu.memory_space<hbm>> -> memref<1x158x128xi32, #tpu.memory_space<hbm>>
      %dma_wait3A_46 = tpu.memref_squeeze %dma_wait3A_45 : memref<1x158x128xi32, #tpu.memory_space<hbm>> -> memref<158x128xi32, #tpu.memory_space<hbm>>
      %dma_wait3A_47 = arith.constant 0 : i32
      %dma_wait3A_48 = arith.constant 0 : i32
      %dma_wait3A_49 = tpu.memref_slice %arg4[%arg1, %dma_wait3A_47, %dma_wait3A_48] : memref<16x158x128xi32, #tpu.memory_space<hbm>> -> memref<1x158x128xi32, #tpu.memory_space<hbm>>
      %dma_wait3A_50 = tpu.memref_squeeze %dma_wait3A_49 : memref<1x158x128xi32, #tpu.memory_space<hbm>> -> memref<158x128xi32, #tpu.memory_space<hbm>>
      tpu.wait_dma2 semaphore(%run_scoped3A : memref<!tpu.dma_semaphore, #tpu.memory_space<semaphore_mem>>) src(%dma_wait3A_50 : memref<158x128xi32, #tpu.memory_space<hbm>>) dst(%arg8 : memref<158x128xi32, #tpu.memory_space<vmem>>)
      tpu.yield
    }) : () -> ()
    "tpu.region"() ({
      %run_scoped3A = tpu.sem_alloc : memref<!tpu.dma_semaphore, #tpu.memory_space<semaphore_mem>>
      %dma_start3A = arith.constant 0 : i32
      %dma_start3A_37 = arith.constant 0 : i32
      %dma_start3A_38 = tpu.memref_slice %arg5[%arg1, %dma_start3A, %dma_start3A_37] : memref<16x158x128xi32, #tpu.memory_space<hbm>> -> memref<1x158x128xi32, #tpu.memory_space<hbm>>
      %dma_start3A_39 = tpu.memref_squeeze %dma_start3A_38 : memref<1x158x128xi32, #tpu.memory_space<hbm>> -> memref<158x128xi32, #tpu.memory_space<hbm>>
      %dma_start3A_40 = arith.constant 0 : i32
      %dma_start3A_41 = arith.constant 0 : i32
      %dma_start3A_42 = tpu.memref_slice %arg5[%arg1, %dma_start3A_40, %dma_start3A_41] : memref<16x158x128xi32, #tpu.memory_space<hbm>> -> memref<1x158x128xi32, #tpu.memory_space<hbm>>
      %dma_start3A_43 = tpu.memref_squeeze %dma_start3A_42 : memref<1x158x128xi32, #tpu.memory_space<hbm>> -> memref<158x128xi32, #tpu.memory_space<hbm>>
      tpu.enqueue_dma source(%dma_start3A_43 : memref<158x128xi32, #tpu.memory_space<hbm>>) target(%arg9 : memref<158x128xi32, #tpu.memory_space<vmem>>) target_semaphore(%run_scoped3A : memref<!tpu.dma_semaphore, #tpu.memory_space<semaphore_mem>>)
      %dma_wait3A = arith.constant 0 : i32
      %dma_wait3A_44 = arith.constant 0 : i32
      %dma_wait3A_45 = tpu.memref_slice %arg5[%arg1, %dma_wait3A, %dma_wait3A_44] : memref<16x158x128xi32, #tpu.memory_space<hbm>> -> memref<1x158x128xi32, #tpu.memory_space<hbm>>
      %dma_wait3A_46 = tpu.memref_squeeze %dma_wait3A_45 : memref<1x158x128xi32, #tpu.memory_space<hbm>> -> memref<158x128xi32, #tpu.memory_space<hbm>>
      %dma_wait3A_47 = arith.constant 0 : i32
      %dma_wait3A_48 = arith.constant 0 : i32
      %dma_wait3A_49 = tpu.memref_slice %arg5[%arg1, %dma_wait3A_47, %dma_wait3A_48] : memref<16x158x128xi32, #tpu.memory_space<hbm>> -> memref<1x158x128xi32, #tpu.memory_space<hbm>>
      %dma_wait3A_50 = tpu.memref_squeeze %dma_wait3A_49 : memref<1x158x128xi32, #tpu.memory_space<hbm>> -> memref<158x128xi32, #tpu.memory_space<hbm>>
      tpu.wait_dma2 semaphore(%run_scoped3A : memref<!tpu.dma_semaphore, #tpu.memory_space<semaphore_mem>>) src(%dma_wait3A_50 : memref<158x128xi32, #tpu.memory_space<hbm>>) dst(%arg9 : memref<158x128xi32, #tpu.memory_space<vmem>>)
      tpu.yield
    }) : () -> ()
    %scan3A = arith.constant 0 : i32
    %scan3A_0 = arith.constant 128 : i32
    %scan3A_1 = arith.addi %scan3A, %scan3A_0 : i32
    %scan3A_2 = arith.constant 1 : i32
    scf.for %scan3A_37 = %scan3A to %scan3A_1 step %scan3A_2  : i32 {
      %mul3A_38 = arith.constant 1 : i32
      %mul3A_39 = arith.muli %scan3A_37, %mul3A_38 : i32
      %add3A_40 = arith.constant 0 : i32
      %add3A_41 = arith.addi %add3A_40, %mul3A_39 : i32
      %broadcast_in_dim3A = arith.constant 1.000000e+00 : f32
      %broadcast_in_dim3A_42 = vector.broadcast %broadcast_in_dim3A : f32 to vector<16xf32>
      %swap3A = arith.index_cast %add3A_41 : i32 to index
      %swap3A_43 = arith.constant 0 : index
      %swap3A_44 = tpu.vector_load %arg12[%swap3A, %swap3A_43] {strides = array<i32>} : memref<128x16xf32, #tpu.memory_space<vmem>>, vector<1x16xf32>,
      %swap3A_45 = vector.shape_cast %swap3A_44 : vector<1x16xf32> to vector<16xf32>
      %swap3A_46 = vector.shape_cast %broadcast_in_dim3A_42 : vector<16xf32> to vector<1x16xf32>
      tpu.vector_store %arg12[%swap3A, %swap3A_43], %swap3A_46 {strides = array<i32>} : memref<128x16xf32, #tpu.memory_space<vmem>>, vector<1x16xf32>,
    }
    %scan3A_3 = arith.constant 128 : i32
    %scan3A_4 = arith.constant 0 : i32
    %scan3A_5 = arith.constant 128 : i32
    %scan3A_6 = arith.addi %scan3A_4, %scan3A_5 : i32
    %scan3A_7 = arith.constant 1 : i32
    scf.for %scan3A_37 = %scan3A_4 to %scan3A_6 step %scan3A_7  : i32 {
      %mul3A_38 = arith.constant 1 : i32
      %mul3A_39 = arith.muli %scan3A_37, %mul3A_38 : i32
      %add3A_40 = arith.constant 0 : i32
      %add3A_41 = arith.addi %add3A_40, %mul3A_39 : i32
      %broadcast_in_dim3A = arith.constant 0.000000e+00 : f32
      %broadcast_in_dim3A_42 = vector.broadcast %broadcast_in_dim3A : f32 to vector<16xf32>
      %swap3A = arith.index_cast %add3A_41 : i32 to index
      %swap3A_43 = arith.constant 0 : index
      %swap3A_44 = tpu.vector_load %arg13[%swap3A, %swap3A_43] {strides = array<i32>} : memref<128x64xf32, #tpu.memory_space<vmem>>, vector<1x16xf32>,
      %swap3A_45 = vector.shape_cast %swap3A_44 : vector<1x16xf32> to vector<16xf32>
      %swap3A_46 = vector.shape_cast %broadcast_in_dim3A_42 : vector<16xf32> to vector<1x16xf32>
      tpu.vector_store %arg13[%swap3A, %swap3A_43], %swap3A_46 {strides = array<i32>} : memref<128x64xf32, #tpu.memory_space<vmem>>, vector<1x16xf32>,
      %broadcast_in_dim3A_47 = arith.constant 0.000000e+00 : f32
      %broadcast_in_dim3A_48 = vector.broadcast %broadcast_in_dim3A_47 : f32 to vector<16xf32>
      %swap3A_49 = arith.index_cast %add3A_41 : i32 to index
      %swap3A_50 = arith.constant 16 : index
      %swap3A_51 = tpu.vector_load %arg13[%swap3A_49, %swap3A_50] {strides = array<i32>} : memref<128x64xf32, #tpu.memory_space<vmem>>, vector<1x16xf32>,
      %swap3A_52 = vector.shape_cast %swap3A_51 : vector<1x16xf32> to vector<16xf32>
      %swap3A_53 = vector.shape_cast %broadcast_in_dim3A_48 : vector<16xf32> to vector<1x16xf32>
      tpu.vector_store %arg13[%swap3A_49, %swap3A_50], %swap3A_53 {strides = array<i32>} : memref<128x64xf32, #tpu.memory_space<vmem>>, vector<1x16xf32>,
      %broadcast_in_dim3A_54 = arith.constant 0.000000e+00 : f32
      %broadcast_in_dim3A_55 = vector.broadcast %broadcast_in_dim3A_54 : f32 to vector<16xf32>
      %swap3A_56 = arith.index_cast %add3A_41 : i32 to index
      %swap3A_57 = arith.constant 32 : index
      %swap3A_58 = tpu.vector_load %arg13[%swap3A_56, %swap3A_57] {strides = array<i32>} : memref<128x64xf32, #tpu.memory_space<vmem>>, vector<1x16xf32>,
      %swap3A_59 = vector.shape_cast %swap3A_58 : vector<1x16xf32> to vector<16xf32>
      %swap3A_60 = vector.shape_cast %broadcast_in_dim3A_55 : vector<16xf32> to vector<1x16xf32>
      tpu.vector_store %arg13[%swap3A_56, %swap3A_57], %swap3A_60 {strides = array<i32>} : memref<128x64xf32, #tpu.memory_space<vmem>>, vector<1x16xf32>,
      %broadcast_in_dim3A_61 = arith.constant 0.000000e+00 : f32
      %broadcast_in_dim3A_62 = vector.broadcast %broadcast_in_dim3A_61 : f32 to vector<16xf32>
      %swap3A_63 = arith.index_cast %add3A_41 : i32 to index
      %swap3A_64 = arith.constant 48 : index
      %swap3A_65 = tpu.vector_load %arg13[%swap3A_63, %swap3A_64] {strides = array<i32>} : memref<128x64xf32, #tpu.memory_space<vmem>>, vector<1x16xf32>,
      %swap3A_66 = vector.shape_cast %swap3A_65 : vector<1x16xf32> to vector<16xf32>
      %swap3A_67 = vector.shape_cast %broadcast_in_dim3A_62 : vector<16xf32> to vector<1x16xf32>
      tpu.vector_store %arg13[%swap3A_63, %swap3A_64], %swap3A_67 {strides = array<i32>} : memref<128x64xf32, #tpu.memory_space<vmem>>, vector<1x16xf32>,
      %broadcast_in_dim3A_68 = arith.constant 0.000000e+00 : f32
      %broadcast_in_dim3A_69 = vector.broadcast %broadcast_in_dim3A_68 : f32 to vector<16xf32>
      %swap3A_70 = arith.index_cast %add3A_41 : i32 to index
      %swap3A_71 = arith.constant 0 : index
      %swap3A_72 = tpu.vector_load %arg14[%swap3A_70, %swap3A_71] {strides = array<i32>} : memref<128x16xf32, #tpu.memory_space<vmem>>, vector<1x16xf32>,
      %swap3A_73 = vector.shape_cast %swap3A_72 : vector<1x16xf32> to vector<16xf32>
      %swap3A_74 = vector.shape_cast %broadcast_in_dim3A_69 : vector<16xf32> to vector<1x16xf32>
      tpu.vector_store %arg14[%swap3A_70, %swap3A_71], %swap3A_74 {strides = array<i32>} : memref<128x16xf32, #tpu.memory_space<vmem>>, vector<1x16xf32>,
    }
    %scan3A_8 = arith.constant 128 : i32
    %mul3A = arith.constant 640 : i32
    %mul3A_9 = arith.muli %arg1, %mul3A : i32
    %add3A = arith.constant 0 : i32
    %add3A_10 = arith.addi %mul3A_9, %add3A : i32
    "tpu.region"() ({
      %run_scoped3A = tpu.sem_alloc : memref<!tpu.dma_semaphore, #tpu.memory_space<semaphore_mem>>
      %dma_start3A = arith.constant 0 : i32
      %dma_start3A_37 = tpu.memref_slice %arg15[%add3A_10, %dma_start3A] : memref<10240x64xf32, #tpu.memory_space<vmem_shared>> -> memref<128x64xf32, #tpu.memory_space<vmem_shared>>
      %dma_start3A_38 = arith.constant 0 : i32
      %dma_start3A_39 = tpu.memref_slice %arg15[%add3A_10, %dma_start3A_38] : memref<10240x64xf32, #tpu.memory_space<vmem_shared>> -> memref<128x64xf32, #tpu.memory_space<vmem_shared>>
      tpu.enqueue_dma source(%arg13 : memref<128x64xf32, #tpu.memory_space<vmem>>) target(%dma_start3A_39 : memref<128x64xf32, #tpu.memory_space<vmem_shared>>) target_semaphore(%run_scoped3A : memref<!tpu.dma_semaphore, #tpu.memory_space<semaphore_mem>>)
      %dma_wait3A = arith.constant 0 : i32
      %dma_wait3A_40 = tpu.memref_slice %arg15[%add3A_10, %dma_wait3A] : memref<10240x64xf32, #tpu.memory_space<vmem_shared>> -> memref<128x64xf32, #tpu.memory_space<vmem_shared>>
      %dma_wait3A_41 = arith.constant 0 : i32
      %dma_wait3A_42 = tpu.memref_slice %arg15[%add3A_10, %dma_wait3A_41] : memref<10240x64xf32, #tpu.memory_space<vmem_shared>> -> memref<128x64xf32, #tpu.memory_space<vmem_shared>>
      tpu.wait_dma2 semaphore(%run_scoped3A : memref<!tpu.dma_semaphore, #tpu.memory_space<semaphore_mem>>) src(%arg13 : memref<128x64xf32, #tpu.memory_space<vmem>>) dst(%dma_wait3A_42 : memref<128x64xf32, #tpu.memory_space<vmem_shared>>)
      tpu.yield
    }) : () -> ()
    "tpu.region"() ({
      %run_scoped3A = tpu.sem_alloc : memref<!tpu.dma_semaphore, #tpu.memory_space<semaphore_mem>>
      %dma_start3A = arith.constant 0 : i32
      %dma_start3A_37 = tpu.memref_slice %arg16[%add3A_10, %dma_start3A] : memref<10240x16xf32, #tpu.memory_space<vmem_shared>> -> memref<128x16xf32, #tpu.memory_space<vmem_shared>>
      %dma_start3A_38 = arith.constant 0 : i32
      %dma_start3A_39 = tpu.memref_slice %arg16[%add3A_10, %dma_start3A_38] : memref<10240x16xf32, #tpu.memory_space<vmem_shared>> -> memref<128x16xf32, #tpu.memory_space<vmem_shared>>
      tpu.enqueue_dma source(%arg14 : memref<128x16xf32, #tpu.memory_space<vmem>>) target(%dma_start3A_39 : memref<128x16xf32, #tpu.memory_space<vmem_shared>>) target_semaphore(%run_scoped3A : memref<!tpu.dma_semaphore, #tpu.memory_space<semaphore_mem>>)
      %dma_wait3A = arith.constant 0 : i32
      %dma_wait3A_40 = tpu.memref_slice %arg16[%add3A_10, %dma_wait3A] : memref<10240x16xf32, #tpu.memory_space<vmem_shared>> -> memref<128x16xf32, #tpu.memory_space<vmem_shared>>
      %dma_wait3A_41 = arith.constant 0 : i32
      %dma_wait3A_42 = tpu.memref_slice %arg16[%add3A_10, %dma_wait3A_41] : memref<10240x16xf32, #tpu.memory_space<vmem_shared>> -> memref<128x16xf32, #tpu.memory_space<vmem_shared>>
      tpu.wait_dma2 semaphore(%run_scoped3A : memref<!tpu.dma_semaphore, #tpu.memory_space<semaphore_mem>>) src(%arg14 : memref<128x16xf32, #tpu.memory_space<vmem>>) dst(%dma_wait3A_42 : memref<128x16xf32, #tpu.memory_space<vmem_shared>>)
      tpu.yield
    }) : () -> ()
    %mul3A_11 = arith.constant 640 : i32
    %mul3A_12 = arith.muli %arg1, %mul3A_11 : i32
    %add3A_13 = arith.constant 128 : i32
    %add3A_14 = arith.addi %mul3A_12, %add3A_13 : i32
    "tpu.region"() ({
      %run_scoped3A = tpu.sem_alloc : memref<!tpu.dma_semaphore, #tpu.memory_space<semaphore_mem>>
      %dma_start3A = arith.constant 0 : i32
      %dma_start3A_37 = tpu.memref_slice %arg15[%add3A_14, %dma_start3A] : memref<10240x64xf32, #tpu.memory_space<vmem_shared>> -> memref<128x64xf32, #tpu.memory_space<vmem_shared>>
      %dma_start3A_38 = arith.constant 0 : i32
      %dma_start3A_39 = tpu.memref_slice %arg15[%add3A_14, %dma_start3A_38] : memref<10240x64xf32, #tpu.memory_space<vmem_shared>> -> memref<128x64xf32, #tpu.memory_space<vmem_shared>>
      tpu.enqueue_dma source(%arg13 : memref<128x64xf32, #tpu.memory_space<vmem>>) target(%dma_start3A_39 : memref<128x64xf32, #tpu.memory_space<vmem_shared>>) target_semaphore(%run_scoped3A : memref<!tpu.dma_semaphore, #tpu.memory_space<semaphore_mem>>)
      %dma_wait3A = arith.constant 0 : i32
      %dma_wait3A_40 = tpu.memref_slice %arg15[%add3A_14, %dma_wait3A] : memref<10240x64xf32, #tpu.memory_space<vmem_shared>> -> memref<128x64xf32, #tpu.memory_space<vmem_shared>>
      %dma_wait3A_41 = arith.constant 0 : i32
      %dma_wait3A_42 = tpu.memref_slice %arg15[%add3A_14, %dma_wait3A_41] : memref<10240x64xf32, #tpu.memory_space<vmem_shared>> -> memref<128x64xf32, #tpu.memory_space<vmem_shared>>
      tpu.wait_dma2 semaphore(%run_scoped3A : memref<!tpu.dma_semaphore, #tpu.memory_space<semaphore_mem>>) src(%arg13 : memref<128x64xf32, #tpu.memory_space<vmem>>) dst(%dma_wait3A_42 : memref<128x64xf32, #tpu.memory_space<vmem_shared>>)
      tpu.yield
    }) : () -> ()
    "tpu.region"() ({
      %run_scoped3A = tpu.sem_alloc : memref<!tpu.dma_semaphore, #tpu.memory_space<semaphore_mem>>
      %dma_start3A = arith.constant 0 : i32
      %dma_start3A_37 = tpu.memref_slice %arg16[%add3A_14, %dma_start3A] : memref<10240x16xf32, #tpu.memory_space<vmem_shared>> -> memref<128x16xf32, #tpu.memory_space<vmem_shared>>
      %dma_start3A_38 = arith.constant 0 : i32
      %dma_start3A_39 = tpu.memref_slice %arg16[%add3A_14, %dma_start3A_38] : memref<10240x16xf32, #tpu.memory_space<vmem_shared>> -> memref<128x16xf32, #tpu.memory_space<vmem_shared>>
      tpu.enqueue_dma source(%arg14 : memref<128x16xf32, #tpu.memory_space<vmem>>) target(%dma_start3A_39 : memref<128x16xf32, #tpu.memory_space<vmem_shared>>) target_semaphore(%run_scoped3A : memref<!tpu.dma_semaphore, #tpu.memory_space<semaphore_mem>>)
      %dma_wait3A = arith.constant 0 : i32
      %dma_wait3A_40 = tpu.memref_slice %arg16[%add3A_14, %dma_wait3A] : memref<10240x16xf32, #tpu.memory_space<vmem_shared>> -> memref<128x16xf32, #tpu.memory_space<vmem_shared>>
      %dma_wait3A_41 = arith.constant 0 : i32
      %dma_wait3A_42 = tpu.memref_slice %arg16[%add3A_14, %dma_wait3A_41] : memref<10240x16xf32, #tpu.memory_space<vmem_shared>> -> memref<128x16xf32, #tpu.memory_space<vmem_shared>>
      tpu.wait_dma2 semaphore(%run_scoped3A : memref<!tpu.dma_semaphore, #tpu.memory_space<semaphore_mem>>) src(%arg14 : memref<128x16xf32, #tpu.memory_space<vmem>>) dst(%dma_wait3A_42 : memref<128x16xf32, #tpu.memory_space<vmem_shared>>)
      tpu.yield
    }) : () -> ()
    %mul3A_15 = arith.constant 640 : i32
    %mul3A_16 = arith.muli %arg1, %mul3A_15 : i32
    %add3A_17 = arith.constant 256 : i32
    %add3A_18 = arith.addi %mul3A_16, %add3A_17 : i32
    "tpu.region"() ({
      %run_scoped3A = tpu.sem_alloc : memref<!tpu.dma_semaphore, #tpu.memory_space<semaphore_mem>>
      %dma_start3A = arith.constant 0 : i32
      %dma_start3A_37 = tpu.memref_slice %arg15[%add3A_18, %dma_start3A] : memref<10240x64xf32, #tpu.memory_space<vmem_shared>> -> memref<128x64xf32, #tpu.memory_space<vmem_shared>>
      %dma_start3A_38 = arith.constant 0 : i32
      %dma_start3A_39 = tpu.memref_slice %arg15[%add3A_18, %dma_start3A_38] : memref<10240x64xf32, #tpu.memory_space<vmem_shared>> -> memref<128x64xf32, #tpu.memory_space<vmem_shared>>
      tpu.enqueue_dma source(%arg13 : memref<128x64xf32, #tpu.memory_space<vmem>>) target(%dma_start3A_39 : memref<128x64xf32, #tpu.memory_space<vmem_shared>>) target_semaphore(%run_scoped3A : memref<!tpu.dma_semaphore, #tpu.memory_space<semaphore_mem>>)
      %dma_wait3A = arith.constant 0 : i32
      %dma_wait3A_40 = tpu.memref_slice %arg15[%add3A_18, %dma_wait3A] : memref<10240x64xf32, #tpu.memory_space<vmem_shared>> -> memref<128x64xf32, #tpu.memory_space<vmem_shared>>
      %dma_wait3A_41 = arith.constant 0 : i32
      %dma_wait3A_42 = tpu.memref_slice %arg15[%add3A_18, %dma_wait3A_41] : memref<10240x64xf32, #tpu.memory_space<vmem_shared>> -> memref<128x64xf32, #tpu.memory_space<vmem_shared>>
      tpu.wait_dma2 semaphore(%run_scoped3A : memref<!tpu.dma_semaphore, #tpu.memory_space<semaphore_mem>>) src(%arg13 : memref<128x64xf32, #tpu.memory_space<vmem>>) dst(%dma_wait3A_42 : memref<128x64xf32, #tpu.memory_space<vmem_shared>>)
      tpu.yield
    }) : () -> ()
    "tpu.region"() ({
      %run_scoped3A = tpu.sem_alloc : memref<!tpu.dma_semaphore, #tpu.memory_space<semaphore_mem>>
      %dma_start3A = arith.constant 0 : i32
      %dma_start3A_37 = tpu.memref_slice %arg16[%add3A_18, %dma_start3A] : memref<10240x16xf32, #tpu.memory_space<vmem_shared>> -> memref<128x16xf32, #tpu.memory_space<vmem_shared>>
      %dma_start3A_38 = arith.constant 0 : i32
      %dma_start3A_39 = tpu.memref_slice %arg16[%add3A_18, %dma_start3A_38] : memref<10240x16xf32, #tpu.memory_space<vmem_shared>> -> memref<128x16xf32, #tpu.memory_space<vmem_shared>>
      tpu.enqueue_dma source(%arg14 : memref<128x16xf32, #tpu.memory_space<vmem>>) target(%dma_start3A_39 : memref<128x16xf32, #tpu.memory_space<vmem_shared>>) target_semaphore(%run_scoped3A : memref<!tpu.dma_semaphore, #tpu.memory_space<semaphore_mem>>)
      %dma_wait3A = arith.constant 0 : i32
      %dma_wait3A_40 = tpu.memref_slice %arg16[%add3A_18, %dma_wait3A] : memref<10240x16xf32, #tpu.memory_space<vmem_shared>> -> memref<128x16xf32, #tpu.memory_space<vmem_shared>>
      %dma_wait3A_41 = arith.constant 0 : i32
      %dma_wait3A_42 = tpu.memref_slice %arg16[%add3A_18, %dma_wait3A_41] : memref<10240x16xf32, #tpu.memory_space<vmem_shared>> -> memref<128x16xf32, #tpu.memory_space<vmem_shared>>
      tpu.wait_dma2 semaphore(%run_scoped3A : memref<!tpu.dma_semaphore, #tpu.memory_space<semaphore_mem>>) src(%arg14 : memref<128x16xf32, #tpu.memory_space<vmem>>) dst(%dma_wait3A_42 : memref<128x16xf32, #tpu.memory_space<vmem_shared>>)
      tpu.yield
    }) : () -> ()
    %mul3A_19 = arith.constant 640 : i32
    %mul3A_20 = arith.muli %arg1, %mul3A_19 : i32
    %add3A_21 = arith.constant 384 : i32
    %add3A_22 = arith.addi %mul3A_20, %add3A_21 : i32
    "tpu.region"() ({
      %run_scoped3A = tpu.sem_alloc : memref<!tpu.dma_semaphore, #tpu.memory_space<semaphore_mem>>
      %dma_start3A = arith.constant 0 : i32
      %dma_start3A_37 = tpu.memref_slice %arg15[%add3A_22, %dma_start3A] : memref<10240x64xf32, #tpu.memory_space<vmem_shared>> -> memref<128x64xf32, #tpu.memory_space<vmem_shared>>
      %dma_start3A_38 = arith.constant 0 : i32
      %dma_start3A_39 = tpu.memref_slice %arg15[%add3A_22, %dma_start3A_38] : memref<10240x64xf32, #tpu.memory_space<vmem_shared>> -> memref<128x64xf32, #tpu.memory_space<vmem_shared>>
      tpu.enqueue_dma source(%arg13 : memref<128x64xf32, #tpu.memory_space<vmem>>) target(%dma_start3A_39 : memref<128x64xf32, #tpu.memory_space<vmem_shared>>) target_semaphore(%run_scoped3A : memref<!tpu.dma_semaphore, #tpu.memory_space<semaphore_mem>>)
      %dma_wait3A = arith.constant 0 : i32
      %dma_wait3A_40 = tpu.memref_slice %arg15[%add3A_22, %dma_wait3A] : memref<10240x64xf32, #tpu.memory_space<vmem_shared>> -> memref<128x64xf32, #tpu.memory_space<vmem_shared>>
      %dma_wait3A_41 = arith.constant 0 : i32
      %dma_wait3A_42 = tpu.memref_slice %arg15[%add3A_22, %dma_wait3A_41] : memref<10240x64xf32, #tpu.memory_space<vmem_shared>> -> memref<128x64xf32, #tpu.memory_space<vmem_shared>>
      tpu.wait_dma2 semaphore(%run_scoped3A : memref<!tpu.dma_semaphore, #tpu.memory_space<semaphore_mem>>) src(%arg13 : memref<128x64xf32, #tpu.memory_space<vmem>>) dst(%dma_wait3A_42 : memref<128x64xf32, #tpu.memory_space<vmem_shared>>)
      tpu.yield
    }) : () -> ()
    "tpu.region"() ({
      %run_scoped3A = tpu.sem_alloc : memref<!tpu.dma_semaphore, #tpu.memory_space<semaphore_mem>>
      %dma_start3A = arith.constant 0 : i32
      %dma_start3A_37 = tpu.memref_slice %arg16[%add3A_22, %dma_start3A] : memref<10240x16xf32, #tpu.memory_space<vmem_shared>> -> memref<128x16xf32, #tpu.memory_space<vmem_shared>>
      %dma_start3A_38 = arith.constant 0 : i32
      %dma_start3A_39 = tpu.memref_slice %arg16[%add3A_22, %dma_start3A_38] : memref<10240x16xf32, #tpu.memory_space<vmem_shared>> -> memref<128x16xf32, #tpu.memory_space<vmem_shared>>
      tpu.enqueue_dma source(%arg14 : memref<128x16xf32, #tpu.memory_space<vmem>>) target(%dma_start3A_39 : memref<128x16xf32, #tpu.memory_space<vmem_shared>>) target_semaphore(%run_scoped3A : memref<!tpu.dma_semaphore, #tpu.memory_space<semaphore_mem>>)
      %dma_wait3A = arith.constant 0 : i32
      %dma_wait3A_40 = tpu.memref_slice %arg16[%add3A_22, %dma_wait3A] : memref<10240x16xf32, #tpu.memory_space<vmem_shared>> -> memref<128x16xf32, #tpu.memory_space<vmem_shared>>
      %dma_wait3A_41 = arith.constant 0 : i32
      %dma_wait3A_42 = tpu.memref_slice %arg16[%add3A_22, %dma_wait3A_41] : memref<10240x16xf32, #tpu.memory_space<vmem_shared>> -> memref<128x16xf32, #tpu.memory_space<vmem_shared>>
      tpu.wait_dma2 semaphore(%run_scoped3A : memref<!tpu.dma_semaphore, #tpu.memory_space<semaphore_mem>>) src(%arg14 : memref<128x16xf32, #tpu.memory_space<vmem>>) dst(%dma_wait3A_42 : memref<128x16xf32, #tpu.memory_space<vmem_shared>>)
      tpu.yield
    }) : () -> ()
    %mul3A_23 = arith.constant 640 : i32
    %mul3A_24 = arith.muli %arg1, %mul3A_23 : i32
    %add3A_25 = arith.constant 512 : i32
    %add3A_26 = arith.addi %mul3A_24, %add3A_25 : i32
    "tpu.region"() ({
      %run_scoped3A = tpu.sem_alloc : memref<!tpu.dma_semaphore, #tpu.memory_space<semaphore_mem>>
      %dma_start3A = arith.constant 0 : i32
      %dma_start3A_37 = tpu.memref_slice %arg15[%add3A_26, %dma_start3A] : memref<10240x64xf32, #tpu.memory_space<vmem_shared>> -> memref<128x64xf32, #tpu.memory_space<vmem_shared>>
      %dma_start3A_38 = arith.constant 0 : i32
      %dma_start3A_39 = tpu.memref_slice %arg15[%add3A_26, %dma_start3A_38] : memref<10240x64xf32, #tpu.memory_space<vmem_shared>> -> memref<128x64xf32, #tpu.memory_space<vmem_shared>>
      tpu.enqueue_dma source(%arg13 : memref<128x64xf32, #tpu.memory_space<vmem>>) target(%dma_start3A_39 : memref<128x64xf32, #tpu.memory_space<vmem_shared>>) target_semaphore(%run_scoped3A : memref<!tpu.dma_semaphore, #tpu.memory_space<semaphore_mem>>)
      %dma_wait3A = arith.constant 0 : i32
      %dma_wait3A_40 = tpu.memref_slice %arg15[%add3A_26, %dma_wait3A] : memref<10240x64xf32, #tpu.memory_space<vmem_shared>> -> memref<128x64xf32, #tpu.memory_space<vmem_shared>>
      %dma_wait3A_41 = arith.constant 0 : i32
      %dma_wait3A_42 = tpu.memref_slice %arg15[%add3A_26, %dma_wait3A_41] : memref<10240x64xf32, #tpu.memory_space<vmem_shared>> -> memref<128x64xf32, #tpu.memory_space<vmem_shared>>
      tpu.wait_dma2 semaphore(%run_scoped3A : memref<!tpu.dma_semaphore, #tpu.memory_space<semaphore_mem>>) src(%arg13 : memref<128x64xf32, #tpu.memory_space<vmem>>) dst(%dma_wait3A_42 : memref<128x64xf32, #tpu.memory_space<vmem_shared>>)
      tpu.yield
    }) : () -> ()
    "tpu.region"() ({
      %run_scoped3A = tpu.sem_alloc : memref<!tpu.dma_semaphore, #tpu.memory_space<semaphore_mem>>
      %dma_start3A = arith.constant 0 : i32
      %dma_start3A_37 = tpu.memref_slice %arg16[%add3A_26, %dma_start3A] : memref<10240x16xf32, #tpu.memory_space<vmem_shared>> -> memref<128x16xf32, #tpu.memory_space<vmem_shared>>
      %dma_start3A_38 = arith.constant 0 : i32
      %dma_start3A_39 = tpu.memref_slice %arg16[%add3A_26, %dma_start3A_38] : memref<10240x16xf32, #tpu.memory_space<vmem_shared>> -> memref<128x16xf32, #tpu.memory_space<vmem_shared>>
      tpu.enqueue_dma source(%arg14 : memref<128x16xf32, #tpu.memory_space<vmem>>) target(%dma_start3A_39 : memref<128x16xf32, #tpu.memory_space<vmem_shared>>) target_semaphore(%run_scoped3A : memref<!tpu.dma_semaphore, #tpu.memory_space<semaphore_mem>>)
      %dma_wait3A = arith.constant 0 : i32
      %dma_wait3A_40 = tpu.memref_slice %arg16[%add3A_26, %dma_wait3A] : memref<10240x16xf32, #tpu.memory_space<vmem_shared>> -> memref<128x16xf32, #tpu.memory_space<vmem_shared>>
      %dma_wait3A_41 = arith.constant 0 : i32
      %dma_wait3A_42 = tpu.memref_slice %arg16[%add3A_26, %dma_wait3A_41] : memref<10240x16xf32, #tpu.memory_space<vmem_shared>> -> memref<128x16xf32, #tpu.memory_space<vmem_shared>>
      tpu.wait_dma2 semaphore(%run_scoped3A : memref<!tpu.dma_semaphore, #tpu.memory_space<semaphore_mem>>) src(%arg14 : memref<128x16xf32, #tpu.memory_space<vmem>>) dst(%dma_wait3A_42 : memref<128x16xf32, #tpu.memory_space<vmem_shared>>)
      tpu.yield
    }) : () -> ()
    %barrier3A = arith.constant 0 : index
    tpu.barrier barrier_id(%barrier3A)
    %eq3A = arith.constant 0 : i32
    %eq3A_27 = arith.cmpi eq, %arg0, %eq3A : i32
    %convert_element_type3A = arith.extui %eq3A_27 : i1 to i32
    %cond3A = arith.constant 0 : i32
    %cond3A_28 = arith.cmpi ne, %convert_element_type3A, %cond3A : i32
    scf.if %cond3A_28 {
      %dma_start3A = arith.constant 0 : i32
      %dma_start3A_37 = arith.constant 0 : i32
      %dma_start3A_38 = tpu.memref_slice %arg8[%dma_start3A, %dma_start3A_37] : memref<158x128xi32, #tpu.memory_space<vmem>> -> memref<1x128xi32, #tpu.memory_space<vmem>>
      %dma_start3A_39 = tpu.memref_squeeze %dma_start3A_38 : memref<1x128xi32, #tpu.memory_space<vmem>> -> memref<128xi32, #tpu.memory_space<vmem>>
      %dma_start3A_40 = arith.constant 0 : i32
      %dma_start3A_41 = arith.constant 0 : i32
      %dma_start3A_42 = tpu.memref_slice %arg2[%dma_start3A_40, %dma_start3A_41] : memref<10000x64xf32, #tpu.memory_space<hbm>> -> memref<10000x64xf32, #tpu.memory_space<hbm>>
      tpu.enqueue_indirect_dma source(%dma_start3A_42 : memref<10000x64xf32, #tpu.memory_space<hbm>>) target(%arg10 : memref<128x64xf32, #tpu.memory_space<vmem>>) offsets(%dma_start3A_39 : memref<128xi32, #tpu.memory_space<vmem>>) semaphore(%arg17 : memref<!tpu.dma_semaphore, #tpu.memory_space<semaphore_mem>>)
      %dma_start3A_43 = arith.constant 1 : i32
      %dma_start3A_44 = arith.constant 0 : i32
      %dma_start3A_45 = tpu.memref_slice %arg8[%dma_start3A_43, %dma_start3A_44] : memref<158x128xi32, #tpu.memory_space<vmem>> -> memref<1x128xi32, #tpu.memory_space<vmem>>
      %dma_start3A_46 = tpu.memref_squeeze %dma_start3A_45 : memref<1x128xi32, #tpu.memory_space<vmem>> -> memref<128xi32, #tpu.memory_space<vmem>>
      %dma_start3A_47 = arith.constant 0 : i32
      %dma_start3A_48 = arith.constant 0 : i32
      %dma_start3A_49 = tpu.memref_slice %arg2[%dma_start3A_47, %dma_start3A_48] : memref<10000x64xf32, #tpu.memory_space<hbm>> -> memref<10000x64xf32, #tpu.memory_space<hbm>>
      tpu.enqueue_indirect_dma source(%dma_start3A_49 : memref<10000x64xf32, #tpu.memory_space<hbm>>) target(%arg11 : memref<128x64xf32, #tpu.memory_space<vmem>>) offsets(%dma_start3A_46 : memref<128xi32, #tpu.memory_space<vmem>>) semaphore(%arg18 : memref<!tpu.dma_semaphore, #tpu.memory_space<semaphore_mem>>)
      %scan3A_50 = arith.constant 0 : i32
      %scan3A_51 = arith.constant 78 : i32
      %scan3A_52 = arith.addi %scan3A_50, %scan3A_51 : i32
      %scan3A_53 = arith.constant 1 : i32
      scf.for %scan3A_70 = %scan3A_50 to %scan3A_52 step %scan3A_53  : i32 {
        %mul3A_71 = arith.constant 2 : i32
        %mul3A_72 = arith.muli %scan3A_70, %mul3A_71 : i32
        %add3A_73 = arith.constant 0 : i32
        %add3A_74 = arith.addi %add3A_73, %mul3A_72 : i32
        %dma_wait3A_75 = arith.constant 0 : i32
        %dma_wait3A_76 = tpu.memref_slice %arg8[%add3A_74, %dma_wait3A_75] : memref<158x128xi32, #tpu.memory_space<vmem>> -> memref<1x128xi32, #tpu.memory_space<vmem>>
        %dma_wait3A_77 = tpu.memref_squeeze %dma_wait3A_76 : memref<1x128xi32, #tpu.memory_space<vmem>> -> memref<128xi32, #tpu.memory_space<vmem>>
        %dma_wait3A_78 = arith.constant 0 : i32
        %dma_wait3A_79 = arith.constant 0 : i32
        %dma_wait3A_80 = tpu.memref_slice %arg2[%dma_wait3A_78, %dma_wait3A_79] : memref<10000x64xf32, #tpu.memory_space<hbm>> -> memref<10000x64xf32, #tpu.memory_space<hbm>>
        tpu.wait_indirect_dma semaphore(%arg17 : memref<!tpu.dma_semaphore, #tpu.memory_space<semaphore_mem>>) src(%dma_wait3A_80 : memref<10000x64xf32, #tpu.memory_space<hbm>>) dst(%arg10 : memref<128x64xf32, #tpu.memory_space<vmem>>)
        "tpu.region"() ({
          %run_scoped3A_107 = tpu.sem_alloc : memref<!tpu.dma_semaphore, #tpu.memory_space<semaphore_mem>>
          %dma_start3A_108 = arith.constant 0 : i32
          %dma_start3A_109 = tpu.memref_slice %arg9[%add3A_74, %dma_start3A_108] : memref<158x128xi32, #tpu.memory_space<vmem>> -> memref<1x128xi32, #tpu.memory_space<vmem>>
          %dma_start3A_110 = tpu.memref_squeeze %dma_start3A_109 : memref<1x128xi32, #tpu.memory_space<vmem>> -> memref<128xi32, #tpu.memory_space<vmem>>
          %dma_start3A_111 = arith.constant 0 : i32
          %dma_start3A_112 = arith.constant 0 : i32
          %dma_start3A_113 = tpu.memref_slice %arg15[%dma_start3A_111, %dma_start3A_112] : memref<10240x64xf32, #tpu.memory_space<vmem_shared>> -> memref<10240x64xf32, #tpu.memory_space<vmem_shared>>
          tpu.enqueue_indirect_dma source(%arg10 : memref<128x64xf32, #tpu.memory_space<vmem>>) target(%dma_start3A_113 : memref<10240x64xf32, #tpu.memory_space<vmem_shared>>) offsets(%dma_start3A_110 : memref<128xi32, #tpu.memory_space<vmem>>) semaphore(%run_scoped3A_107 : memref<!tpu.dma_semaphore, #tpu.memory_space<semaphore_mem>>) {add = true}
          %dma_wait3A_114 = arith.constant 0 : i32
          %dma_wait3A_115 = tpu.memref_slice %arg9[%add3A_74, %dma_wait3A_114] : memref<158x128xi32, #tpu.memory_space<vmem>> -> memref<1x128xi32, #tpu.memory_space<vmem>>
          %dma_wait3A_116 = tpu.memref_squeeze %dma_wait3A_115 : memref<1x128xi32, #tpu.memory_space<vmem>> -> memref<128xi32, #tpu.memory_space<vmem>>
          %dma_wait3A_117 = arith.constant 0 : i32
          %dma_wait3A_118 = arith.constant 0 : i32
          %dma_wait3A_119 = tpu.memref_slice %arg15[%dma_wait3A_117, %dma_wait3A_118] : memref<10240x64xf32, #tpu.memory_space<vmem_shared>> -> memref<10240x64xf32, #tpu.memory_space<vmem_shared>>
          tpu.wait_indirect_dma semaphore(%run_scoped3A_107 : memref<!tpu.dma_semaphore, #tpu.memory_space<semaphore_mem>>) src(%arg10 : memref<128x64xf32, #tpu.memory_space<vmem>>) dst(%dma_wait3A_119 : memref<10240x64xf32, #tpu.memory_space<vmem_shared>>)
          tpu.yield
        }) : () -> ()
        "tpu.region"() ({
          %run_scoped3A_107 = tpu.sem_alloc : memref<!tpu.dma_semaphore, #tpu.memory_space<semaphore_mem>>
          %dma_start3A_108 = arith.constant 0 : i32
          %dma_start3A_109 = tpu.memref_slice %arg9[%add3A_74, %dma_start3A_108] : memref<158x128xi32, #tpu.memory_space<vmem>> -> memref<1x128xi32, #tpu.memory_space<vmem>>
          %dma_start3A_110 = tpu.memref_squeeze %dma_start3A_109 : memref<1x128xi32, #tpu.memory_space<vmem>> -> memref<128xi32, #tpu.memory_space<vmem>>
          %dma_start3A_111 = arith.constant 0 : i32
          %dma_start3A_112 = arith.constant 0 : i32
          %dma_start3A_113 = tpu.memref_slice %arg16[%dma_start3A_111, %dma_start3A_112] : memref<10240x16xf32, #tpu.memory_space<vmem_shared>> -> memref<10240x16xf32, #tpu.memory_space<vmem_shared>>
          tpu.enqueue_indirect_dma source(%arg12 : memref<128x16xf32, #tpu.memory_space<vmem>>) target(%dma_start3A_113 : memref<10240x16xf32, #tpu.memory_space<vmem_shared>>) offsets(%dma_start3A_110 : memref<128xi32, #tpu.memory_space<vmem>>) semaphore(%run_scoped3A_107 : memref<!tpu.dma_semaphore, #tpu.memory_space<semaphore_mem>>) {add = true}
          %dma_wait3A_114 = arith.constant 0 : i32
          %dma_wait3A_115 = tpu.memref_slice %arg9[%add3A_74, %dma_wait3A_114] : memref<158x128xi32, #tpu.memory_space<vmem>> -> memref<1x128xi32, #tpu.memory_space<vmem>>
          %dma_wait3A_116 = tpu.memref_squeeze %dma_wait3A_115 : memref<1x128xi32, #tpu.memory_space<vmem>> -> memref<128xi32, #tpu.memory_space<vmem>>
          %dma_wait3A_117 = arith.constant 0 : i32
          %dma_wait3A_118 = arith.constant 0 : i32
          %dma_wait3A_119 = tpu.memref_slice %arg16[%dma_wait3A_117, %dma_wait3A_118] : memref<10240x16xf32, #tpu.memory_space<vmem_shared>> -> memref<10240x16xf32, #tpu.memory_space<vmem_shared>>
          tpu.wait_indirect_dma semaphore(%run_scoped3A_107 : memref<!tpu.dma_semaphore, #tpu.memory_space<semaphore_mem>>) src(%arg12 : memref<128x16xf32, #tpu.memory_space<vmem>>) dst(%dma_wait3A_119 : memref<10240x16xf32, #tpu.memory_space<vmem_shared>>)
          tpu.yield
        }) : () -> ()
        %add3A_81 = arith.constant 2 : i32
        %add3A_82 = arith.addi %add3A_74, %add3A_81 : i32
        %dma_start3A_83 = arith.constant 0 : i32
        %dma_start3A_84 = tpu.memref_slice %arg8[%add3A_82, %dma_start3A_83] : memref<158x128xi32, #tpu.memory_space<vmem>> -> memref<1x128xi32, #tpu.memory_space<vmem>>
        %dma_start3A_85 = tpu.memref_squeeze %dma_start3A_84 : memref<1x128xi32, #tpu.memory_space<vmem>> -> memref<128xi32, #tpu.memory_space<vmem>>
        %dma_start3A_86 = arith.constant 0 : i32
        %dma_start3A_87 = arith.constant 0 : i32
        %dma_start3A_88 = tpu.memref_slice %arg2[%dma_start3A_86, %dma_start3A_87] : memref<10000x64xf32, #tpu.memory_space<hbm>> -> memref<10000x64xf32, #tpu.memory_space<hbm>>
        tpu.enqueue_indirect_dma source(%dma_start3A_88 : memref<10000x64xf32, #tpu.memory_space<hbm>>) target(%arg10 : memref<128x64xf32, #tpu.memory_space<vmem>>) offsets(%dma_start3A_85 : memref<128xi32, #tpu.memory_space<vmem>>) semaphore(%arg17 : memref<!tpu.dma_semaphore, #tpu.memory_space<semaphore_mem>>)
        %add3A_89 = arith.constant 1 : i32
        %add3A_90 = arith.addi %add3A_74, %add3A_89 : i32
        %dma_wait3A_91 = arith.constant 0 : i32
        %dma_wait3A_92 = tpu.memref_slice %arg8[%add3A_90, %dma_wait3A_91] : memref<158x128xi32, #tpu.memory_space<vmem>> -> memref<1x128xi32, #tpu.memory_space<vmem>>
        %dma_wait3A_93 = tpu.memref_squeeze %dma_wait3A_92 : memref<1x128xi32, #tpu.memory_space<vmem>> -> memref<128xi32, #tpu.memory_space<vmem>>
        %dma_wait3A_94 = arith.constant 0 : i32
        %dma_wait3A_95 = arith.constant 0 : i32
        %dma_wait3A_96 = tpu.memref_slice %arg2[%dma_wait3A_94, %dma_wait3A_95] : memref<10000x64xf32, #tpu.memory_space<hbm>> -> memref<10000x64xf32, #tpu.memory_space<hbm>>
        tpu.wait_indirect_dma semaphore(%arg18 : memref<!tpu.dma_semaphore, #tpu.memory_space<semaphore_mem>>) src(%dma_wait3A_96 : memref<10000x64xf32, #tpu.memory_space<hbm>>) dst(%arg11 : memref<128x64xf32, #tpu.memory_space<vmem>>)
        %add3A_97 = arith.constant 1 : i32
        %add3A_98 = arith.addi %add3A_74, %add3A_97 : i32
        "tpu.region"() ({
          %run_scoped3A_107 = tpu.sem_alloc : memref<!tpu.dma_semaphore, #tpu.memory_space<semaphore_mem>>
          %dma_start3A_108 = arith.constant 0 : i32
          %dma_start3A_109 = tpu.memref_slice %arg9[%add3A_98, %dma_start3A_108] : memref<158x128xi32, #tpu.memory_space<vmem>> -> memref<1x128xi32, #tpu.memory_space<vmem>>
          %dma_start3A_110 = tpu.memref_squeeze %dma_start3A_109 : memref<1x128xi32, #tpu.memory_space<vmem>> -> memref<128xi32, #tpu.memory_space<vmem>>
          %dma_start3A_111 = arith.constant 0 : i32
          %dma_start3A_112 = arith.constant 0 : i32
          %dma_start3A_113 = tpu.memref_slice %arg15[%dma_start3A_111, %dma_start3A_112] : memref<10240x64xf32, #tpu.memory_space<vmem_shared>> -> memref<10240x64xf32, #tpu.memory_space<vmem_shared>>
          tpu.enqueue_indirect_dma source(%arg11 : memref<128x64xf32, #tpu.memory_space<vmem>>) target(%dma_start3A_113 : memref<10240x64xf32, #tpu.memory_space<vmem_shared>>) offsets(%dma_start3A_110 : memref<128xi32, #tpu.memory_space<vmem>>) semaphore(%run_scoped3A_107 : memref<!tpu.dma_semaphore, #tpu.memory_space<semaphore_mem>>) {add = true}
          %dma_wait3A_114 = arith.constant 0 : i32
          %dma_wait3A_115 = tpu.memref_slice %arg9[%add3A_98, %dma_wait3A_114] : memref<158x128xi32, #tpu.memory_space<vmem>> -> memref<1x128xi32, #tpu.memory_space<vmem>>
          %dma_wait3A_116 = tpu.memref_squeeze %dma_wait3A_115 : memref<1x128xi32, #tpu.memory_space<vmem>> -> memref<128xi32, #tpu.memory_space<vmem>>
          %dma_wait3A_117 = arith.constant 0 : i32
          %dma_wait3A_118 = arith.constant 0 : i32
          %dma_wait3A_119 = tpu.memref_slice %arg15[%dma_wait3A_117, %dma_wait3A_118] : memref<10240x64xf32, #tpu.memory_space<vmem_shared>> -> memref<10240x64xf32, #tpu.memory_space<vmem_shared>>
          tpu.wait_indirect_dma semaphore(%run_scoped3A_107 : memref<!tpu.dma_semaphore, #tpu.memory_space<semaphore_mem>>) src(%arg11 : memref<128x64xf32, #tpu.memory_space<vmem>>) dst(%dma_wait3A_119 : memref<10240x64xf32, #tpu.memory_space<vmem_shared>>)
          tpu.yield
        }) : () -> ()
        %add3A_99 = arith.constant 3 : i32
        %add3A_100 = arith.addi %add3A_74, %add3A_99 : i32
        %dma_start3A_101 = arith.constant 0 : i32
        %dma_start3A_102 = tpu.memref_slice %arg8[%add3A_100, %dma_start3A_101] : memref<158x128xi32, #tpu.memory_space<vmem>> -> memref<1x128xi32, #tpu.memory_space<vmem>>
        %dma_start3A_103 = tpu.memref_squeeze %dma_start3A_102 : memref<1x128xi32, #tpu.memory_space<vmem>> -> memref<128xi32, #tpu.memory_space<vmem>>
        %dma_start3A_104 = arith.constant 0 : i32
        %dma_start3A_105 = arith.constant 0 : i32
        %dma_start3A_106 = tpu.memref_slice %arg2[%dma_start3A_104, %dma_start3A_105] : memref<10000x64xf32, #tpu.memory_space<hbm>> -> memref<10000x64xf32, #tpu.memory_space<hbm>>
        tpu.enqueue_indirect_dma source(%dma_start3A_106 : memref<10000x64xf32, #tpu.memory_space<hbm>>) target(%arg11 : memref<128x64xf32, #tpu.memory_space<vmem>>) offsets(%dma_start3A_103 : memref<128xi32, #tpu.memory_space<vmem>>) semaphore(%arg18 : memref<!tpu.dma_semaphore, #tpu.memory_space<semaphore_mem>>)
      }
      %scan3A_54 = arith.constant 78 : i32
      %dma_wait3A = arith.constant 156 : i32
      %dma_wait3A_55 = arith.constant 0 : i32
      %dma_wait3A_56 = tpu.memref_slice %arg8[%dma_wait3A, %dma_wait3A_55] : memref<158x128xi32, #tpu.memory_space<vmem>> -> memref<1x128xi32, #tpu.memory_space<vmem>>
      %dma_wait3A_57 = tpu.memref_squeeze %dma_wait3A_56 : memref<1x128xi32, #tpu.memory_space<vmem>> -> memref<128xi32, #tpu.memory_space<vmem>>
      %dma_wait3A_58 = arith.constant 0 : i32
      %dma_wait3A_59 = arith.constant 0 : i32
      %dma_wait3A_60 = tpu.memref_slice %arg2[%dma_wait3A_58, %dma_wait3A_59] : memref<10000x64xf32, #tpu.memory_space<hbm>> -> memref<10000x64xf32, #tpu.memory_space<hbm>>
      tpu.wait_indirect_dma semaphore(%arg17 : memref<!tpu.dma_semaphore, #tpu.memory_space<semaphore_mem>>) src(%dma_wait3A_60 : memref<10000x64xf32, #tpu.memory_space<hbm>>) dst(%arg10 : memref<128x64xf32, #tpu.memory_space<vmem>>)
      %run_scoped3A = arith.constant 156 : i32
      "tpu.region"() ({
        %run_scoped3A_70 = tpu.sem_alloc : memref<!tpu.dma_semaphore, #tpu.memory_space<semaphore_mem>>
        %dma_start3A_71 = arith.constant 0 : i32
        %dma_start3A_72 = tpu.memref_slice %arg9[%run_scoped3A, %dma_start3A_71] : memref<158x128xi32, #tpu.memory_space<vmem>> -> memref<1x128xi32, #tpu.memory_space<vmem>>
        %dma_start3A_73 = tpu.memref_squeeze %dma_start3A_72 : memref<1x128xi32, #tpu.memory_space<vmem>> -> memref<128xi32, #tpu.memory_space<vmem>>
        %dma_start3A_74 = arith.constant 0 : i32
        %dma_start3A_75 = arith.constant 0 : i32
        %dma_start3A_76 = tpu.memref_slice %arg15[%dma_start3A_74, %dma_start3A_75] : memref<10240x64xf32, #tpu.memory_space<vmem_shared>> -> memref<10240x64xf32, #tpu.memory_space<vmem_shared>>
        tpu.enqueue_indirect_dma source(%arg10 : memref<128x64xf32, #tpu.memory_space<vmem>>) target(%dma_start3A_76 : memref<10240x64xf32, #tpu.memory_space<vmem_shared>>) offsets(%dma_start3A_73 : memref<128xi32, #tpu.memory_space<vmem>>) semaphore(%run_scoped3A_70 : memref<!tpu.dma_semaphore, #tpu.memory_space<semaphore_mem>>) {add = true}
        %dma_wait3A_77 = arith.constant 0 : i32
        %dma_wait3A_78 = tpu.memref_slice %arg9[%run_scoped3A, %dma_wait3A_77] : memref<158x128xi32, #tpu.memory_space<vmem>> -> memref<1x128xi32, #tpu.memory_space<vmem>>
        %dma_wait3A_79 = tpu.memref_squeeze %dma_wait3A_78 : memref<1x128xi32, #tpu.memory_space<vmem>> -> memref<128xi32, #tpu.memory_space<vmem>>
        %dma_wait3A_80 = arith.constant 0 : i32
        %dma_wait3A_81 = arith.constant 0 : i32
        %dma_wait3A_82 = tpu.memref_slice %arg15[%dma_wait3A_80, %dma_wait3A_81] : memref<10240x64xf32, #tpu.memory_space<vmem_shared>> -> memref<10240x64xf32, #tpu.memory_space<vmem_shared>>
        tpu.wait_indirect_dma semaphore(%run_scoped3A_70 : memref<!tpu.dma_semaphore, #tpu.memory_space<semaphore_mem>>) src(%arg10 : memref<128x64xf32, #tpu.memory_space<vmem>>) dst(%dma_wait3A_82 : memref<10240x64xf32, #tpu.memory_space<vmem_shared>>)
        tpu.yield
      }) : () -> ()
      %run_scoped3A_61 = arith.constant 156 : i32
      "tpu.region"() ({
        %run_scoped3A_70 = tpu.sem_alloc : memref<!tpu.dma_semaphore, #tpu.memory_space<semaphore_mem>>
        %dma_start3A_71 = arith.constant 0 : i32
        %dma_start3A_72 = tpu.memref_slice %arg9[%run_scoped3A_61, %dma_start3A_71] : memref<158x128xi32, #tpu.memory_space<vmem>> -> memref<1x128xi32, #tpu.memory_space<vmem>>
        %dma_start3A_73 = tpu.memref_squeeze %dma_start3A_72 : memref<1x128xi32, #tpu.memory_space<vmem>> -> memref<128xi32, #tpu.memory_space<vmem>>
        %dma_start3A_74 = arith.constant 0 : i32
        %dma_start3A_75 = arith.constant 0 : i32
        %dma_start3A_76 = tpu.memref_slice %arg16[%dma_start3A_74, %dma_start3A_75] : memref<10240x16xf32, #tpu.memory_space<vmem_shared>> -> memref<10240x16xf32, #tpu.memory_space<vmem_shared>>
        tpu.enqueue_indirect_dma source(%arg12 : memref<128x16xf32, #tpu.memory_space<vmem>>) target(%dma_start3A_76 : memref<10240x16xf32, #tpu.memory_space<vmem_shared>>) offsets(%dma_start3A_73 : memref<128xi32, #tpu.memory_space<vmem>>) semaphore(%run_scoped3A_70 : memref<!tpu.dma_semaphore, #tpu.memory_space<semaphore_mem>>) {add = true}
        %dma_wait3A_77 = arith.constant 0 : i32
        %dma_wait3A_78 = tpu.memref_slice %arg9[%run_scoped3A_61, %dma_wait3A_77] : memref<158x128xi32, #tpu.memory_space<vmem>> -> memref<1x128xi32, #tpu.memory_space<vmem>>
        %dma_wait3A_79 = tpu.memref_squeeze %dma_wait3A_78 : memref<1x128xi32, #tpu.memory_space<vmem>> -> memref<128xi32, #tpu.memory_space<vmem>>
        %dma_wait3A_80 = arith.constant 0 : i32
        %dma_wait3A_81 = arith.constant 0 : i32
        %dma_wait3A_82 = tpu.memref_slice %arg16[%dma_wait3A_80, %dma_wait3A_81] : memref<10240x16xf32, #tpu.memory_space<vmem_shared>> -> memref<10240x16xf32, #tpu.memory_space<vmem_shared>>
        tpu.wait_indirect_dma semaphore(%run_scoped3A_70 : memref<!tpu.dma_semaphore, #tpu.memory_space<semaphore_mem>>) src(%arg12 : memref<128x16xf32, #tpu.memory_space<vmem>>) dst(%dma_wait3A_82 : memref<10240x16xf32, #tpu.memory_space<vmem_shared>>)
        tpu.yield
      }) : () -> ()
      %dma_wait3A_62 = arith.constant 157 : i32
      %dma_wait3A_63 = arith.constant 0 : i32
      %dma_wait3A_64 = tpu.memref_slice %arg8[%dma_wait3A_62, %dma_wait3A_63] : memref<158x128xi32, #tpu.memory_space<vmem>> -> memref<1x128xi32, #tpu.memory_space<vmem>>
      %dma_wait3A_65 = tpu.memref_squeeze %dma_wait3A_64 : memref<1x128xi32, #tpu.memory_space<vmem>> -> memref<128xi32, #tpu.memory_space<vmem>>
      %dma_wait3A_66 = arith.constant 0 : i32
      %dma_wait3A_67 = arith.constant 0 : i32
      %dma_wait3A_68 = tpu.memref_slice %arg2[%dma_wait3A_66, %dma_wait3A_67] : memref<10000x64xf32, #tpu.memory_space<hbm>> -> memref<10000x64xf32, #tpu.memory_space<hbm>>
      tpu.wait_indirect_dma semaphore(%arg18 : memref<!tpu.dma_semaphore, #tpu.memory_space<semaphore_mem>>) src(%dma_wait3A_68 : memref<10000x64xf32, #tpu.memory_space<hbm>>) dst(%arg11 : memref<128x64xf32, #tpu.memory_space<vmem>>)
      %run_scoped3A_69 = arith.constant 157 : i32
      "tpu.region"() ({
        %run_scoped3A_70 = tpu.sem_alloc : memref<!tpu.dma_semaphore, #tpu.memory_space<semaphore_mem>>
        %dma_start3A_71 = arith.constant 0 : i32
        %dma_start3A_72 = tpu.memref_slice %arg9[%run_scoped3A_69, %dma_start3A_71] : memref<158x128xi32, #tpu.memory_space<vmem>> -> memref<1x128xi32, #tpu.memory_space<vmem>>
        %dma_start3A_73 = tpu.memref_squeeze %dma_start3A_72 : memref<1x128xi32, #tpu.memory_space<vmem>> -> memref<128xi32, #tpu.memory_space<vmem>>
        %dma_start3A_74 = arith.constant 0 : i32
        %dma_start3A_75 = arith.constant 0 : i32
        %dma_start3A_76 = tpu.memref_slice %arg15[%dma_start3A_74, %dma_start3A_75] : memref<10240x64xf32, #tpu.memory_space<vmem_shared>> -> memref<10240x64xf32, #tpu.memory_space<vmem_shared>>
        tpu.enqueue_indirect_dma source(%arg11 : memref<128x64xf32, #tpu.memory_space<vmem>>) target(%dma_start3A_76 : memref<10240x64xf32, #tpu.memory_space<vmem_shared>>) offsets(%dma_start3A_73 : memref<128xi32, #tpu.memory_space<vmem>>) semaphore(%run_scoped3A_70 : memref<!tpu.dma_semaphore, #tpu.memory_space<semaphore_mem>>) {add = true}
        %dma_wait3A_77 = arith.constant 0 : i32
        %dma_wait3A_78 = tpu.memref_slice %arg9[%run_scoped3A_69, %dma_wait3A_77] : memref<158x128xi32, #tpu.memory_space<vmem>> -> memref<1x128xi32, #tpu.memory_space<vmem>>
        %dma_wait3A_79 = tpu.memref_squeeze %dma_wait3A_78 : memref<1x128xi32, #tpu.memory_space<vmem>> -> memref<128xi32, #tpu.memory_space<vmem>>
        %dma_wait3A_80 = arith.constant 0 : i32
        %dma_wait3A_81 = arith.constant 0 : i32
        %dma_wait3A_82 = tpu.memref_slice %arg15[%dma_wait3A_80, %dma_wait3A_81] : memref<10240x64xf32, #tpu.memory_space<vmem_shared>> -> memref<10240x64xf32, #tpu.memory_space<vmem_shared>>
        tpu.wait_indirect_dma semaphore(%run_scoped3A_70 : memref<!tpu.dma_semaphore, #tpu.memory_space<semaphore_mem>>) src(%arg11 : memref<128x64xf32, #tpu.memory_space<vmem>>) dst(%dma_wait3A_82 : memref<10240x64xf32, #tpu.memory_space<vmem_shared>>)
        tpu.yield
      }) : () -> ()
    } else {
    }
    %eq3A_29 = arith.constant 1 : i32
    %eq3A_30 = arith.cmpi eq, %arg0, %eq3A_29 : i32
    %convert_element_type3A_31 = arith.extui %eq3A_30 : i1 to i32
    %cond3A_32 = arith.constant 0 : i32
    %cond3A_33 = arith.cmpi ne, %convert_element_type3A_31, %cond3A_32 : i32
    scf.if %cond3A_33 {
      %dma_start3A = arith.constant 0 : i32
      %dma_start3A_37 = arith.constant 0 : i32
      %dma_start3A_38 = tpu.memref_slice %arg8[%dma_start3A, %dma_start3A_37] : memref<158x128xi32, #tpu.memory_space<vmem>> -> memref<1x128xi32, #tpu.memory_space<vmem>>
      %dma_start3A_39 = tpu.memref_squeeze %dma_start3A_38 : memref<1x128xi32, #tpu.memory_space<vmem>> -> memref<128xi32, #tpu.memory_space<vmem>>
      %dma_start3A_40 = arith.constant 0 : i32
      %dma_start3A_41 = arith.constant 0 : i32
      %dma_start3A_42 = tpu.memref_slice %arg3[%dma_start3A_40, %dma_start3A_41] : memref<10000x64xf32, #tpu.memory_space<hbm>> -> memref<10000x64xf32, #tpu.memory_space<hbm>>
      tpu.enqueue_indirect_dma source(%dma_start3A_42 : memref<10000x64xf32, #tpu.memory_space<hbm>>) target(%arg10 : memref<128x64xf32, #tpu.memory_space<vmem>>) offsets(%dma_start3A_39 : memref<128xi32, #tpu.memory_space<vmem>>) semaphore(%arg17 : memref<!tpu.dma_semaphore, #tpu.memory_space<semaphore_mem>>)
      %dma_start3A_43 = arith.constant 1 : i32
      %dma_start3A_44 = arith.constant 0 : i32
      %dma_start3A_45 = tpu.memref_slice %arg8[%dma_start3A_43, %dma_start3A_44] : memref<158x128xi32, #tpu.memory_space<vmem>> -> memref<1x128xi32, #tpu.memory_space<vmem>>
      %dma_start3A_46 = tpu.memref_squeeze %dma_start3A_45 : memref<1x128xi32, #tpu.memory_space<vmem>> -> memref<128xi32, #tpu.memory_space<vmem>>
      %dma_start3A_47 = arith.constant 0 : i32
      %dma_start3A_48 = arith.constant 0 : i32
      %dma_start3A_49 = tpu.memref_slice %arg3[%dma_start3A_47, %dma_start3A_48] : memref<10000x64xf32, #tpu.memory_space<hbm>> -> memref<10000x64xf32, #tpu.memory_space<hbm>>
      tpu.enqueue_indirect_dma source(%dma_start3A_49 : memref<10000x64xf32, #tpu.memory_space<hbm>>) target(%arg11 : memref<128x64xf32, #tpu.memory_space<vmem>>) offsets(%dma_start3A_46 : memref<128xi32, #tpu.memory_space<vmem>>) semaphore(%arg18 : memref<!tpu.dma_semaphore, #tpu.memory_space<semaphore_mem>>)
      %scan3A_50 = arith.constant 0 : i32
      %scan3A_51 = arith.constant 78 : i32
      %scan3A_52 = arith.addi %scan3A_50, %scan3A_51 : i32
      %scan3A_53 = arith.constant 1 : i32
      scf.for %scan3A_70 = %scan3A_50 to %scan3A_52 step %scan3A_53  : i32 {
        %mul3A_71 = arith.constant 2 : i32
        %mul3A_72 = arith.muli %scan3A_70, %mul3A_71 : i32
        %add3A_73 = arith.constant 0 : i32
        %add3A_74 = arith.addi %add3A_73, %mul3A_72 : i32
        %dma_wait3A_75 = arith.constant 0 : i32
        %dma_wait3A_76 = tpu.memref_slice %arg8[%add3A_74, %dma_wait3A_75] : memref<158x128xi32, #tpu.memory_space<vmem>> -> memref<1x128xi32, #tpu.memory_space<vmem>>
        %dma_wait3A_77 = tpu.memref_squeeze %dma_wait3A_76 : memref<1x128xi32, #tpu.memory_space<vmem>> -> memref<128xi32, #tpu.memory_space<vmem>>
        %dma_wait3A_78 = arith.constant 0 : i32
        %dma_wait3A_79 = arith.constant 0 : i32
        %dma_wait3A_80 = tpu.memref_slice %arg3[%dma_wait3A_78, %dma_wait3A_79] : memref<10000x64xf32, #tpu.memory_space<hbm>> -> memref<10000x64xf32, #tpu.memory_space<hbm>>
        tpu.wait_indirect_dma semaphore(%arg17 : memref<!tpu.dma_semaphore, #tpu.memory_space<semaphore_mem>>) src(%dma_wait3A_80 : memref<10000x64xf32, #tpu.memory_space<hbm>>) dst(%arg10 : memref<128x64xf32, #tpu.memory_space<vmem>>)
        "tpu.region"() ({
          %run_scoped3A_107 = tpu.sem_alloc : memref<!tpu.dma_semaphore, #tpu.memory_space<semaphore_mem>>
          %dma_start3A_108 = arith.constant 0 : i32
          %dma_start3A_109 = tpu.memref_slice %arg9[%add3A_74, %dma_start3A_108] : memref<158x128xi32, #tpu.memory_space<vmem>> -> memref<1x128xi32, #tpu.memory_space<vmem>>
          %dma_start3A_110 = tpu.memref_squeeze %dma_start3A_109 : memref<1x128xi32, #tpu.memory_space<vmem>> -> memref<128xi32, #tpu.memory_space<vmem>>
          %dma_start3A_111 = arith.constant 0 : i32
          %dma_start3A_112 = arith.constant 0 : i32
          %dma_start3A_113 = tpu.memref_slice %arg15[%dma_start3A_111, %dma_start3A_112] : memref<10240x64xf32, #tpu.memory_space<vmem_shared>> -> memref<10240x64xf32, #tpu.memory_space<vmem_shared>>
          tpu.enqueue_indirect_dma source(%arg10 : memref<128x64xf32, #tpu.memory_space<vmem>>) target(%dma_start3A_113 : memref<10240x64xf32, #tpu.memory_space<vmem_shared>>) offsets(%dma_start3A_110 : memref<128xi32, #tpu.memory_space<vmem>>) semaphore(%run_scoped3A_107 : memref<!tpu.dma_semaphore, #tpu.memory_space<semaphore_mem>>) {add = true}
          %dma_wait3A_114 = arith.constant 0 : i32
          %dma_wait3A_115 = tpu.memref_slice %arg9[%add3A_74, %dma_wait3A_114] : memref<158x128xi32, #tpu.memory_space<vmem>> -> memref<1x128xi32, #tpu.memory_space<vmem>>
          %dma_wait3A_116 = tpu.memref_squeeze %dma_wait3A_115 : memref<1x128xi32, #tpu.memory_space<vmem>> -> memref<128xi32, #tpu.memory_space<vmem>>
          %dma_wait3A_117 = arith.constant 0 : i32
          %dma_wait3A_118 = arith.constant 0 : i32
          %dma_wait3A_119 = tpu.memref_slice %arg15[%dma_wait3A_117, %dma_wait3A_118] : memref<10240x64xf32, #tpu.memory_space<vmem_shared>> -> memref<10240x64xf32, #tpu.memory_space<vmem_shared>>
          tpu.wait_indirect_dma semaphore(%run_scoped3A_107 : memref<!tpu.dma_semaphore, #tpu.memory_space<semaphore_mem>>) src(%arg10 : memref<128x64xf32, #tpu.memory_space<vmem>>) dst(%dma_wait3A_119 : memref<10240x64xf32, #tpu.memory_space<vmem_shared>>)
          tpu.yield
        }) : () -> ()
        %add3A_81 = arith.constant 2 : i32
        %add3A_82 = arith.addi %add3A_74, %add3A_81 : i32
        %dma_start3A_83 = arith.constant 0 : i32
        %dma_start3A_84 = tpu.memref_slice %arg8[%add3A_82, %dma_start3A_83] : memref<158x128xi32, #tpu.memory_space<vmem>> -> memref<1x128xi32, #tpu.memory_space<vmem>>
        %dma_start3A_85 = tpu.memref_squeeze %dma_start3A_84 : memref<1x128xi32, #tpu.memory_space<vmem>> -> memref<128xi32, #tpu.memory_space<vmem>>
        %dma_start3A_86 = arith.constant 0 : i32
        %dma_start3A_87 = arith.constant 0 : i32
        %dma_start3A_88 = tpu.memref_slice %arg3[%dma_start3A_86, %dma_start3A_87] : memref<10000x64xf32, #tpu.memory_space<hbm>> -> memref<10000x64xf32, #tpu.memory_space<hbm>>
        tpu.enqueue_indirect_dma source(%dma_start3A_88 : memref<10000x64xf32, #tpu.memory_space<hbm>>) target(%arg10 : memref<128x64xf32, #tpu.memory_space<vmem>>) offsets(%dma_start3A_85 : memref<128xi32, #tpu.memory_space<vmem>>) semaphore(%arg17 : memref<!tpu.dma_semaphore, #tpu.memory_space<semaphore_mem>>)
        %add3A_89 = arith.constant 1 : i32
        %add3A_90 = arith.addi %add3A_74, %add3A_89 : i32
        %dma_wait3A_91 = arith.constant 0 : i32
        %dma_wait3A_92 = tpu.memref_slice %arg8[%add3A_90, %dma_wait3A_91] : memref<158x128xi32, #tpu.memory_space<vmem>> -> memref<1x128xi32, #tpu.memory_space<vmem>>
        %dma_wait3A_93 = tpu.memref_squeeze %dma_wait3A_92 : memref<1x128xi32, #tpu.memory_space<vmem>> -> memref<128xi32, #tpu.memory_space<vmem>>
        %dma_wait3A_94 = arith.constant 0 : i32
        %dma_wait3A_95 = arith.constant 0 : i32
        %dma_wait3A_96 = tpu.memref_slice %arg3[%dma_wait3A_94, %dma_wait3A_95] : memref<10000x64xf32, #tpu.memory_space<hbm>> -> memref<10000x64xf32, #tpu.memory_space<hbm>>
        tpu.wait_indirect_dma semaphore(%arg18 : memref<!tpu.dma_semaphore, #tpu.memory_space<semaphore_mem>>) src(%dma_wait3A_96 : memref<10000x64xf32, #tpu.memory_space<hbm>>) dst(%arg11 : memref<128x64xf32, #tpu.memory_space<vmem>>)
        %add3A_97 = arith.constant 1 : i32
        %add3A_98 = arith.addi %add3A_74, %add3A_97 : i32
        "tpu.region"() ({
          %run_scoped3A_107 = tpu.sem_alloc : memref<!tpu.dma_semaphore, #tpu.memory_space<semaphore_mem>>
          %dma_start3A_108 = arith.constant 0 : i32
          %dma_start3A_109 = tpu.memref_slice %arg9[%add3A_98, %dma_start3A_108] : memref<158x128xi32, #tpu.memory_space<vmem>> -> memref<1x128xi32, #tpu.memory_space<vmem>>
          %dma_start3A_110 = tpu.memref_squeeze %dma_start3A_109 : memref<1x128xi32, #tpu.memory_space<vmem>> -> memref<128xi32, #tpu.memory_space<vmem>>
          %dma_start3A_111 = arith.constant 0 : i32
          %dma_start3A_112 = arith.constant 0 : i32
          %dma_start3A_113 = tpu.memref_slice %arg15[%dma_start3A_111, %dma_start3A_112] : memref<10240x64xf32, #tpu.memory_space<vmem_shared>> -> memref<10240x64xf32, #tpu.memory_space<vmem_shared>>
          tpu.enqueue_indirect_dma source(%arg11 : memref<128x64xf32, #tpu.memory_space<vmem>>) target(%dma_start3A_113 : memref<10240x64xf32, #tpu.memory_space<vmem_shared>>) offsets(%dma_start3A_110 : memref<128xi32, #tpu.memory_space<vmem>>) semaphore(%run_scoped3A_107 : memref<!tpu.dma_semaphore, #tpu.memory_space<semaphore_mem>>) {add = true}
          %dma_wait3A_114 = arith.constant 0 : i32
          %dma_wait3A_115 = tpu.memref_slice %arg9[%add3A_98, %dma_wait3A_114] : memref<158x128xi32, #tpu.memory_space<vmem>> -> memref<1x128xi32, #tpu.memory_space<vmem>>
          %dma_wait3A_116 = tpu.memref_squeeze %dma_wait3A_115 : memref<1x128xi32, #tpu.memory_space<vmem>> -> memref<128xi32, #tpu.memory_space<vmem>>
          %dma_wait3A_117 = arith.constant 0 : i32
          %dma_wait3A_118 = arith.constant 0 : i32
          %dma_wait3A_119 = tpu.memref_slice %arg15[%dma_wait3A_117, %dma_wait3A_118] : memref<10240x64xf32, #tpu.memory_space<vmem_shared>> -> memref<10240x64xf32, #tpu.memory_space<vmem_shared>>
          tpu.wait_indirect_dma semaphore(%run_scoped3A_107 : memref<!tpu.dma_semaphore, #tpu.memory_space<semaphore_mem>>) src(%arg11 : memref<128x64xf32, #tpu.memory_space<vmem>>) dst(%dma_wait3A_119 : memref<10240x64xf32, #tpu.memory_space<vmem_shared>>)
          tpu.yield
        }) : () -> ()
        "tpu.region"() ({
          %run_scoped3A_107 = tpu.sem_alloc : memref<!tpu.dma_semaphore, #tpu.memory_space<semaphore_mem>>
          %dma_start3A_108 = arith.constant 0 : i32
          %dma_start3A_109 = tpu.memref_slice %arg9[%add3A_98, %dma_start3A_108] : memref<158x128xi32, #tpu.memory_space<vmem>> -> memref<1x128xi32, #tpu.memory_space<vmem>>
          %dma_start3A_110 = tpu.memref_squeeze %dma_start3A_109 : memref<1x128xi32, #tpu.memory_space<vmem>> -> memref<128xi32, #tpu.memory_space<vmem>>
          %dma_start3A_111 = arith.constant 0 : i32
          %dma_start3A_112 = arith.constant 0 : i32
          %dma_start3A_113 = tpu.memref_slice %arg16[%dma_start3A_111, %dma_start3A_112] : memref<10240x16xf32, #tpu.memory_space<vmem_shared>> -> memref<10240x16xf32, #tpu.memory_space<vmem_shared>>
          tpu.enqueue_indirect_dma source(%arg12 : memref<128x16xf32, #tpu.memory_space<vmem>>) target(%dma_start3A_113 : memref<10240x16xf32, #tpu.memory_space<vmem_shared>>) offsets(%dma_start3A_110 : memref<128xi32, #tpu.memory_space<vmem>>) semaphore(%run_scoped3A_107 : memref<!tpu.dma_semaphore, #tpu.memory_space<semaphore_mem>>) {add = true}
          %dma_wait3A_114 = arith.constant 0 : i32
          %dma_wait3A_115 = tpu.memref_slice %arg9[%add3A_98, %dma_wait3A_114] : memref<158x128xi32, #tpu.memory_space<vmem>> -> memref<1x128xi32, #tpu.memory_space<vmem>>
          %dma_wait3A_116 = tpu.memref_squeeze %dma_wait3A_115 : memref<1x128xi32, #tpu.memory_space<vmem>> -> memref<128xi32, #tpu.memory_space<vmem>>
          %dma_wait3A_117 = arith.constant 0 : i32
          %dma_wait3A_118 = arith.constant 0 : i32
          %dma_wait3A_119 = tpu.memref_slice %arg16[%dma_wait3A_117, %dma_wait3A_118] : memref<10240x16xf32, #tpu.memory_space<vmem_shared>> -> memref<10240x16xf32, #tpu.memory_space<vmem_shared>>
          tpu.wait_indirect_dma semaphore(%run_scoped3A_107 : memref<!tpu.dma_semaphore, #tpu.memory_space<semaphore_mem>>) src(%arg12 : memref<128x16xf32, #tpu.memory_space<vmem>>) dst(%dma_wait3A_119 : memref<10240x16xf32, #tpu.memory_space<vmem_shared>>)
          tpu.yield
        }) : () -> ()
        %add3A_99 = arith.constant 3 : i32
        %add3A_100 = arith.addi %add3A_74, %add3A_99 : i32
        %dma_start3A_101 = arith.constant 0 : i32
        %dma_start3A_102 = tpu.memref_slice %arg8[%add3A_100, %dma_start3A_101] : memref<158x128xi32, #tpu.memory_space<vmem>> -> memref<1x128xi32, #tpu.memory_space<vmem>>
        %dma_start3A_103 = tpu.memref_squeeze %dma_start3A_102 : memref<1x128xi32, #tpu.memory_space<vmem>> -> memref<128xi32, #tpu.memory_space<vmem>>
        %dma_start3A_104 = arith.constant 0 : i32
        %dma_start3A_105 = arith.constant 0 : i32
        %dma_start3A_106 = tpu.memref_slice %arg3[%dma_start3A_104, %dma_start3A_105] : memref<10000x64xf32, #tpu.memory_space<hbm>> -> memref<10000x64xf32, #tpu.memory_space<hbm>>
        tpu.enqueue_indirect_dma source(%dma_start3A_106 : memref<10000x64xf32, #tpu.memory_space<hbm>>) target(%arg11 : memref<128x64xf32, #tpu.memory_space<vmem>>) offsets(%dma_start3A_103 : memref<128xi32, #tpu.memory_space<vmem>>) semaphore(%arg18 : memref<!tpu.dma_semaphore, #tpu.memory_space<semaphore_mem>>)
      }
      %scan3A_54 = arith.constant 78 : i32
      %dma_wait3A = arith.constant 156 : i32
      %dma_wait3A_55 = arith.constant 0 : i32
      %dma_wait3A_56 = tpu.memref_slice %arg8[%dma_wait3A, %dma_wait3A_55] : memref<158x128xi32, #tpu.memory_space<vmem>> -> memref<1x128xi32, #tpu.memory_space<vmem>>
      %dma_wait3A_57 = tpu.memref_squeeze %dma_wait3A_56 : memref<1x128xi32, #tpu.memory_space<vmem>> -> memref<128xi32, #tpu.memory_space<vmem>>
      %dma_wait3A_58 = arith.constant 0 : i32
      %dma_wait3A_59 = arith.constant 0 : i32
      %dma_wait3A_60 = tpu.memref_slice %arg3[%dma_wait3A_58, %dma_wait3A_59] : memref<10000x64xf32, #tpu.memory_space<hbm>> -> memref<10000x64xf32, #tpu.memory_space<hbm>>
      tpu.wait_indirect_dma semaphore(%arg17 : memref<!tpu.dma_semaphore, #tpu.memory_space<semaphore_mem>>) src(%dma_wait3A_60 : memref<10000x64xf32, #tpu.memory_space<hbm>>) dst(%arg10 : memref<128x64xf32, #tpu.memory_space<vmem>>)
      %run_scoped3A = arith.constant 156 : i32
      "tpu.region"() ({
        %run_scoped3A_70 = tpu.sem_alloc : memref<!tpu.dma_semaphore, #tpu.memory_space<semaphore_mem>>
        %dma_start3A_71 = arith.constant 0 : i32
        %dma_start3A_72 = tpu.memref_slice %arg9[%run_scoped3A, %dma_start3A_71] : memref<158x128xi32, #tpu.memory_space<vmem>> -> memref<1x128xi32, #tpu.memory_space<vmem>>
        %dma_start3A_73 = tpu.memref_squeeze %dma_start3A_72 : memref<1x128xi32, #tpu.memory_space<vmem>> -> memref<128xi32, #tpu.memory_space<vmem>>
        %dma_start3A_74 = arith.constant 0 : i32
        %dma_start3A_75 = arith.constant 0 : i32
        %dma_start3A_76 = tpu.memref_slice %arg15[%dma_start3A_74, %dma_start3A_75] : memref<10240x64xf32, #tpu.memory_space<vmem_shared>> -> memref<10240x64xf32, #tpu.memory_space<vmem_shared>>
        tpu.enqueue_indirect_dma source(%arg10 : memref<128x64xf32, #tpu.memory_space<vmem>>) target(%dma_start3A_76 : memref<10240x64xf32, #tpu.memory_space<vmem_shared>>) offsets(%dma_start3A_73 : memref<128xi32, #tpu.memory_space<vmem>>) semaphore(%run_scoped3A_70 : memref<!tpu.dma_semaphore, #tpu.memory_space<semaphore_mem>>) {add = true}
        %dma_wait3A_77 = arith.constant 0 : i32
        %dma_wait3A_78 = tpu.memref_slice %arg9[%run_scoped3A, %dma_wait3A_77] : memref<158x128xi32, #tpu.memory_space<vmem>> -> memref<1x128xi32, #tpu.memory_space<vmem>>
        %dma_wait3A_79 = tpu.memref_squeeze %dma_wait3A_78 : memref<1x128xi32, #tpu.memory_space<vmem>> -> memref<128xi32, #tpu.memory_space<vmem>>
        %dma_wait3A_80 = arith.constant 0 : i32
        %dma_wait3A_81 = arith.constant 0 : i32
        %dma_wait3A_82 = tpu.memref_slice %arg15[%dma_wait3A_80, %dma_wait3A_81] : memref<10240x64xf32, #tpu.memory_space<vmem_shared>> -> memref<10240x64xf32, #tpu.memory_space<vmem_shared>>
        tpu.wait_indirect_dma semaphore(%run_scoped3A_70 : memref<!tpu.dma_semaphore, #tpu.memory_space<semaphore_mem>>) src(%arg10 : memref<128x64xf32, #tpu.memory_space<vmem>>) dst(%dma_wait3A_82 : memref<10240x64xf32, #tpu.memory_space<vmem_shared>>)
        tpu.yield
      }) : () -> ()
      %dma_wait3A_61 = arith.constant 157 : i32
      %dma_wait3A_62 = arith.constant 0 : i32
      %dma_wait3A_63 = tpu.memref_slice %arg8[%dma_wait3A_61, %dma_wait3A_62] : memref<158x128xi32, #tpu.memory_space<vmem>> -> memref<1x128xi32, #tpu.memory_space<vmem>>
      %dma_wait3A_64 = tpu.memref_squeeze %dma_wait3A_63 : memref<1x128xi32, #tpu.memory_space<vmem>> -> memref<128xi32, #tpu.memory_space<vmem>>
      %dma_wait3A_65 = arith.constant 0 : i32
      %dma_wait3A_66 = arith.constant 0 : i32
      %dma_wait3A_67 = tpu.memref_slice %arg3[%dma_wait3A_65, %dma_wait3A_66] : memref<10000x64xf32, #tpu.memory_space<hbm>> -> memref<10000x64xf32, #tpu.memory_space<hbm>>
      tpu.wait_indirect_dma semaphore(%arg18 : memref<!tpu.dma_semaphore, #tpu.memory_space<semaphore_mem>>) src(%dma_wait3A_67 : memref<10000x64xf32, #tpu.memory_space<hbm>>) dst(%arg11 : memref<128x64xf32, #tpu.memory_space<vmem>>)
      %run_scoped3A_68 = arith.constant 157 : i32
      "tpu.region"() ({
        %run_scoped3A_70 = tpu.sem_alloc : memref<!tpu.dma_semaphore, #tpu.memory_space<semaphore_mem>>
        %dma_start3A_71 = arith.constant 0 : i32
        %dma_start3A_72 = tpu.memref_slice %arg9[%run_scoped3A_68, %dma_start3A_71] : memref<158x128xi32, #tpu.memory_space<vmem>> -> memref<1x128xi32, #tpu.memory_space<vmem>>
        %dma_start3A_73 = tpu.memref_squeeze %dma_start3A_72 : memref<1x128xi32, #tpu.memory_space<vmem>> -> memref<128xi32, #tpu.memory_space<vmem>>
        %dma_start3A_74 = arith.constant 0 : i32
        %dma_start3A_75 = arith.constant 0 : i32
        %dma_start3A_76 = tpu.memref_slice %arg15[%dma_start3A_74, %dma_start3A_75] : memref<10240x64xf32, #tpu.memory_space<vmem_shared>> -> memref<10240x64xf32, #tpu.memory_space<vmem_shared>>
        tpu.enqueue_indirect_dma source(%arg11 : memref<128x64xf32, #tpu.memory_space<vmem>>) target(%dma_start3A_76 : memref<10240x64xf32, #tpu.memory_space<vmem_shared>>) offsets(%dma_start3A_73 : memref<128xi32, #tpu.memory_space<vmem>>) semaphore(%run_scoped3A_70 : memref<!tpu.dma_semaphore, #tpu.memory_space<semaphore_mem>>) {add = true}
        %dma_wait3A_77 = arith.constant 0 : i32
        %dma_wait3A_78 = tpu.memref_slice %arg9[%run_scoped3A_68, %dma_wait3A_77] : memref<158x128xi32, #tpu.memory_space<vmem>> -> memref<1x128xi32, #tpu.memory_space<vmem>>
        %dma_wait3A_79 = tpu.memref_squeeze %dma_wait3A_78 : memref<1x128xi32, #tpu.memory_space<vmem>> -> memref<128xi32, #tpu.memory_space<vmem>>
        %dma_wait3A_80 = arith.constant 0 : i32
        %dma_wait3A_81 = arith.constant 0 : i32
        %dma_wait3A_82 = tpu.memref_slice %arg15[%dma_wait3A_80, %dma_wait3A_81] : memref<10240x64xf32, #tpu.memory_space<vmem_shared>> -> memref<10240x64xf32, #tpu.memory_space<vmem_shared>>
        tpu.wait_indirect_dma semaphore(%run_scoped3A_70 : memref<!tpu.dma_semaphore, #tpu.memory_space<semaphore_mem>>) src(%arg11 : memref<128x64xf32, #tpu.memory_space<vmem>>) dst(%dma_wait3A_82 : memref<10240x64xf32, #tpu.memory_space<vmem_shared>>)
        tpu.yield
      }) : () -> ()
      %run_scoped3A_69 = arith.constant 157 : i32
      "tpu.region"() ({
        %run_scoped3A_70 = tpu.sem_alloc : memref<!tpu.dma_semaphore, #tpu.memory_space<semaphore_mem>>
        %dma_start3A_71 = arith.constant 0 : i32
        %dma_start3A_72 = tpu.memref_slice %arg9[%run_scoped3A_69, %dma_start3A_71] : memref<158x128xi32, #tpu.memory_space<vmem>> -> memref<1x128xi32, #tpu.memory_space<vmem>>
        %dma_start3A_73 = tpu.memref_squeeze %dma_start3A_72 : memref<1x128xi32, #tpu.memory_space<vmem>> -> memref<128xi32, #tpu.memory_space<vmem>>
        %dma_start3A_74 = arith.constant 0 : i32
        %dma_start3A_75 = arith.constant 0 : i32
        %dma_start3A_76 = tpu.memref_slice %arg16[%dma_start3A_74, %dma_start3A_75] : memref<10240x16xf32, #tpu.memory_space<vmem_shared>> -> memref<10240x16xf32, #tpu.memory_space<vmem_shared>>
        tpu.enqueue_indirect_dma source(%arg12 : memref<128x16xf32, #tpu.memory_space<vmem>>) target(%dma_start3A_76 : memref<10240x16xf32, #tpu.memory_space<vmem_shared>>) offsets(%dma_start3A_73 : memref<128xi32, #tpu.memory_space<vmem>>) semaphore(%run_scoped3A_70 : memref<!tpu.dma_semaphore, #tpu.memory_space<semaphore_mem>>) {add = true}
        %dma_wait3A_77 = arith.constant 0 : i32
        %dma_wait3A_78 = tpu.memref_slice %arg9[%run_scoped3A_69, %dma_wait3A_77] : memref<158x128xi32, #tpu.memory_space<vmem>> -> memref<1x128xi32, #tpu.memory_space<vmem>>
        %dma_wait3A_79 = tpu.memref_squeeze %dma_wait3A_78 : memref<1x128xi32, #tpu.memory_space<vmem>> -> memref<128xi32, #tpu.memory_space<vmem>>
        %dma_wait3A_80 = arith.constant 0 : i32
        %dma_wait3A_81 = arith.constant 0 : i32
        %dma_wait3A_82 = tpu.memref_slice %arg16[%dma_wait3A_80, %dma_wait3A_81] : memref<10240x16xf32, #tpu.memory_space<vmem_shared>> -> memref<10240x16xf32, #tpu.memory_space<vmem_shared>>
        tpu.wait_indirect_dma semaphore(%run_scoped3A_70 : memref<!tpu.dma_semaphore, #tpu.memory_space<semaphore_mem>>) src(%arg12 : memref<128x16xf32, #tpu.memory_space<vmem>>) dst(%dma_wait3A_82 : memref<10240x16xf32, #tpu.memory_space<vmem_shared>>)
        tpu.yield
      }) : () -> ()
    } else {
    }
    %barrier3A_34 = arith.constant 0 : index
    tpu.barrier barrier_id(%barrier3A_34)
    %mul3A_35 = arith.constant 640 : i32
    %mul3A_36 = arith.muli %arg1, %mul3A_35 : i32
    "tpu.region"() ({
      %run_scoped3A = tpu.sem_alloc : memref<!tpu.dma_semaphore, #tpu.memory_space<semaphore_mem>>
      %dma_start3A = arith.constant 0 : i32
      %dma_start3A_37 = tpu.memref_slice %arg6[%arg0, %mul3A_36, %dma_start3A] : memref<2x10240x64xf32, #tpu.memory_space<hbm>> -> memref<1x640x64xf32, #tpu.memory_space<hbm>>
      %dma_start3A_38 = tpu.memref_squeeze %dma_start3A_37 : memref<1x640x64xf32, #tpu.memory_space<hbm>> -> memref<640x64xf32, #tpu.memory_space<hbm>>
      %dma_start3A_39 = arith.constant 0 : i32
      %dma_start3A_40 = tpu.memref_slice %arg15[%mul3A_36, %dma_start3A_39] : memref<10240x64xf32, #tpu.memory_space<vmem_shared>> -> memref<640x64xf32, #tpu.memory_space<vmem_shared>>
      tpu.enqueue_dma source(%dma_start3A_40 : memref<640x64xf32, #tpu.memory_space<vmem_shared>>) target(%dma_start3A_38 : memref<640x64xf32, #tpu.memory_space<hbm>>) target_semaphore(%run_scoped3A : memref<!tpu.dma_semaphore, #tpu.memory_space<semaphore_mem>>)
      %dma_wait3A = arith.constant 0 : i32
      %dma_wait3A_41 = tpu.memref_slice %arg6[%arg0, %mul3A_36, %dma_wait3A] : memref<2x10240x64xf32, #tpu.memory_space<hbm>> -> memref<1x640x64xf32, #tpu.memory_space<hbm>>
      %dma_wait3A_42 = tpu.memref_squeeze %dma_wait3A_41 : memref<1x640x64xf32, #tpu.memory_space<hbm>> -> memref<640x64xf32, #tpu.memory_space<hbm>>
      %dma_wait3A_43 = arith.constant 0 : i32
      %dma_wait3A_44 = tpu.memref_slice %arg15[%mul3A_36, %dma_wait3A_43] : memref<10240x64xf32, #tpu.memory_space<vmem_shared>> -> memref<640x64xf32, #tpu.memory_space<vmem_shared>>
      tpu.wait_dma2 semaphore(%run_scoped3A : memref<!tpu.dma_semaphore, #tpu.memory_space<semaphore_mem>>) src(%dma_wait3A_44 : memref<640x64xf32, #tpu.memory_space<vmem_shared>>) dst(%dma_wait3A_42 : memref<640x64xf32, #tpu.memory_space<hbm>>)
      tpu.yield
    }) : () -> ()
    "tpu.region"() ({
      %run_scoped3A = tpu.sem_alloc : memref<!tpu.dma_semaphore, #tpu.memory_space<semaphore_mem>>
      %dma_start3A = arith.constant 0 : i32
      %dma_start3A_37 = tpu.memref_slice %arg7[%arg0, %mul3A_36, %dma_start3A] : memref<2x10240x16xf32, #tpu.memory_space<hbm>> -> memref<1x640x16xf32, #tpu.memory_space<hbm>>
      %dma_start3A_38 = tpu.memref_squeeze %dma_start3A_37 : memref<1x640x16xf32, #tpu.memory_space<hbm>> -> memref<640x16xf32, #tpu.memory_space<hbm>>
      %dma_start3A_39 = arith.constant 0 : i32
      %dma_start3A_40 = tpu.memref_slice %arg16[%mul3A_36, %dma_start3A_39] : memref<10240x16xf32, #tpu.memory_space<vmem_shared>> -> memref<640x16xf32, #tpu.memory_space<vmem_shared>>
      tpu.enqueue_dma source(%dma_start3A_40 : memref<640x16xf32, #tpu.memory_space<vmem_shared>>) target(%dma_start3A_38 : memref<640x16xf32, #tpu.memory_space<hbm>>) target_semaphore(%run_scoped3A : memref<!tpu.dma_semaphore, #tpu.memory_space<semaphore_mem>>)
      %dma_wait3A = arith.constant 0 : i32
      %dma_wait3A_41 = tpu.memref_slice %arg7[%arg0, %mul3A_36, %dma_wait3A] : memref<2x10240x16xf32, #tpu.memory_space<hbm>> -> memref<1x640x16xf32, #tpu.memory_space<hbm>>
      %dma_wait3A_42 = tpu.memref_squeeze %dma_wait3A_41 : memref<1x640x16xf32, #tpu.memory_space<hbm>> -> memref<640x16xf32, #tpu.memory_space<hbm>>
      %dma_wait3A_43 = arith.constant 0 : i32
      %dma_wait3A_44 = tpu.memref_slice %arg16[%mul3A_36, %dma_wait3A_43] : memref<10240x16xf32, #tpu.memory_space<vmem_shared>> -> memref<640x16xf32, #tpu.memory_space<vmem_shared>>
      tpu.wait_dma2 semaphore(%run_scoped3A : memref<!tpu.dma_semaphore, #tpu.memory_space<semaphore_mem>>) src(%dma_wait3A_44 : memref<640x16xf32, #tpu.memory_space<vmem_shared>>) dst(%dma_wait3A_42 : memref<640x16xf32, #tpu.memory_space<hbm>>)
      tpu.yield
    }) : () -> ()
    return
  }
}

module attributes {stable_mosaic.version = 14 : i64} {
  func.func @body(%arg0: i32, %arg1: memref<1000x128xf32, #tpu.memory_space<vmem>>, %arg2: memref<2x1000x64xf32, #tpu.memory_space<vmem>>, %arg3: memref<2x1000x16xf32, #tpu.memory_space<vmem>>, %arg4: memref<128x128xf32, #tpu.memory_space<vmem>>, %arg5: memref<128x128xf32, #tpu.memory_space<vmem>>, %arg6: memref<1x128xf32, #tpu.memory_space<vmem>>, %arg7: memref<1000x128xf32, #tpu.memory_space<vmem>>) attributes {dimension_semantics = [#tpu.dimension_semantics<arbitrary>], iteration_bounds = array<i64: 10>, scalar_prefetch = 0 : i64, scratch_operands = 0 : i64, tpu.core_type = #tpu.core_type<tc>, window_params = [{transform_indices = @transform_0, window_bounds = array<i64: 1000, 128>}, {transform_indices = @transform_1, window_bounds = array<i64: 2, 1000, 64>}, {transform_indices = @transform_2, window_bounds = array<i64: 2, 1000, 16>}, {pipeline_mode = #tpu.pipeline_mode<synchronous>, transform_indices = @transform_3, window_bounds = array<i64: 128, 128>}, {pipeline_mode = #tpu.pipeline_mode<synchronous>, transform_indices = @transform_4, window_bounds = array<i64: 128, 128>}, {pipeline_mode = #tpu.pipeline_mode<synchronous>, transform_indices = @transform_5, window_bounds = array<i64: 1, 128>}, {transform_indices = @transform_6, window_bounds = array<i64: 1000, 128>}]} {
    %get3A = arith.constant 0 : index
    %get3A_0 = arith.constant 0 : index
    %get3A_1 = arith.constant 0 : index
    %get3A_2 = vector.load %arg2[%get3A, %get3A_0, %get3A_1] : memref<2x1000x64xf32, #tpu.memory_space<vmem>>, vector<1x1000x64xf32>
    %get3A_3 = vector.shape_cast %get3A_2 : vector<1x1000x64xf32> to vector<1000x64xf32>
    %get3A_4 = arith.constant 1 : index
    %get3A_5 = arith.constant 0 : index
    %get3A_6 = arith.constant 0 : index
    %get3A_7 = vector.load %arg2[%get3A_4, %get3A_5, %get3A_6] : memref<2x1000x64xf32, #tpu.memory_space<vmem>>, vector<1x1000x64xf32>
    %get3A_8 = vector.shape_cast %get3A_7 : vector<1x1000x64xf32> to vector<1000x64xf32>
    %concatenate3A = tpu.concatenate %get3A_3, %get3A_8 in 1 : vector<1000x64xf32>, vector<1000x64xf32> -> vector<1000x128xf32>
    %get3A_9 = arith.constant 0 : index
    %get3A_10 = arith.constant 0 : index
    %get3A_11 = arith.constant 0 : index
    %get3A_12 = vector.load %arg3[%get3A_9, %get3A_10, %get3A_11] : memref<2x1000x16xf32, #tpu.memory_space<vmem>>, vector<1x1000x1xf32>
    %get3A_13 = vector.shape_cast %get3A_12 : vector<1x1000x1xf32> to vector<1000x1xf32>
    %get3A_14 = arith.constant 1 : index
    %get3A_15 = arith.constant 0 : index
    %get3A_16 = arith.constant 0 : index
    %get3A_17 = vector.load %arg3[%get3A_14, %get3A_15, %get3A_16] : memref<2x1000x16xf32, #tpu.memory_space<vmem>>, vector<1x1000x1xf32>
    %get3A_18 = vector.shape_cast %get3A_17 : vector<1x1000x1xf32> to vector<1000x1xf32>
    %add3A = arith.addf %get3A_13, %get3A_18 : vector<1000x1xf32>
    %max3A = arith.constant 1.000000e+00 : f32
    %max3A_19 = vector.broadcast %max3A : f32 to vector<1000x1xf32>
    %max3A_20 = arith.maximumf %add3A, %max3A_19 : vector<1000x1xf32>
    %div3A = arith.constant 1.000000e+00 : f32
    %div3A_21 = vector.broadcast %div3A : f32 to vector<1000x1xf32>
    %div3A_22 = arith.divf %div3A_21, %max3A_20 : vector<1000x1xf32>
    %mul3A = vector.broadcast %div3A_22 : vector<1000x1xf32> to vector<1000x128xf32>
    %mul3A_23 = arith.mulf %concatenate3A, %mul3A : vector<1000x128xf32>
    %get3A_24 = arith.constant 0 : index
    %get3A_25 = arith.constant 0 : index
    %get3A_26 = vector.load %arg1[%get3A_24, %get3A_25] : memref<1000x128xf32, #tpu.memory_space<vmem>>, vector<1000x128xf32>
    %get3A_27 = arith.constant 0 : index
    %get3A_28 = arith.constant 0 : index
    %get3A_29 = vector.load %arg4[%get3A_27, %get3A_28] : memref<128x128xf32, #tpu.memory_space<vmem>>, vector<128x128xf32>
    %dot_general3A = arith.constant dense<0.000000e+00> : vector<1000x128xf32>
    %dot_general3A_30 = tpu.matmul %get3A_26, %get3A_29, %dot_general3A {dimension_numbers = #tpu.dot_dimension_numbers<[1], [0], [0], [1], [0, 0, 1, 1], [], []>, transpose_lhs_hint = false} : vector<1000x128xf32>, vector<128x128xf32>, vector<1000x128xf32> -> vector<1000x128xf32>
    %get3A_31 = arith.constant 0 : index
    %get3A_32 = arith.constant 0 : index
    %get3A_33 = vector.load %arg5[%get3A_31, %get3A_32] : memref<128x128xf32, #tpu.memory_space<vmem>>, vector<128x128xf32>
    %dot_general3A_34 = arith.constant dense<0.000000e+00> : vector<1000x128xf32>
    %dot_general3A_35 = tpu.matmul %mul3A_23, %get3A_33, %dot_general3A_34 {dimension_numbers = #tpu.dot_dimension_numbers<[1], [0], [0], [1], [0, 0, 1, 1], [], []>, transpose_lhs_hint = false} : vector<1000x128xf32>, vector<128x128xf32>, vector<1000x128xf32> -> vector<1000x128xf32>
    %add3A_36 = arith.addf %dot_general3A_30, %dot_general3A_35 : vector<1000x128xf32>
    %get3A_37 = arith.constant 0 : index
    %get3A_38 = arith.constant 0 : index
    %get3A_39 = vector.load %arg6[%get3A_37, %get3A_38] : memref<1x128xf32, #tpu.memory_space<vmem>>, vector<1x128xf32>
    %add3A_40 = vector.broadcast %get3A_39 : vector<1x128xf32> to vector<1000x128xf32>
    %add3A_41 = arith.addf %add3A_36, %add3A_40 : vector<1000x128xf32>
    %swap3A = arith.constant 0 : index
    %swap3A_42 = arith.constant 0 : index
    %swap3A_43 = vector.load %arg7[%swap3A, %swap3A_42] : memref<1000x128xf32, #tpu.memory_space<vmem>>, vector<1000x128xf32>
    tpu.vector_store %arg7[%swap3A, %swap3A_42], %add3A_41 {strides = array<i32>} : memref<1000x128xf32, #tpu.memory_space<vmem>>, vector<1000x128xf32>,
    return
  }
  func.func @transform_0(%arg0: i32) -> (i32, i32) {
    %c0_i32 = arith.constant 0 : i32
    %c0_i32_0 = arith.constant 0 : i32
    return %arg0, %c0_i32 : i32, i32
  }
  func.func @transform_1(%arg0: i32) -> (i32, i32, i32) {
    %c0_i32 = arith.constant 0 : i32
    %c0_i32_0 = arith.constant 0 : i32
    %c0_i32_1 = arith.constant 0 : i32
    return %c0_i32, %arg0, %c0_i32_0 : i32, i32, i32
  }
  func.func @transform_2(%arg0: i32) -> (i32, i32, i32) {
    %c0_i32 = arith.constant 0 : i32
    %c0_i32_0 = arith.constant 0 : i32
    %c0_i32_1 = arith.constant 0 : i32
    return %c0_i32, %arg0, %c0_i32_0 : i32, i32, i32
  }
  func.func @transform_3(%arg0: i32) -> (i32, i32) {
    %c0_i32 = arith.constant 0 : i32
    %c0_i32_0 = arith.constant 0 : i32
    %c0_i32_1 = arith.constant 0 : i32
    return %c0_i32, %c0_i32_0 : i32, i32
  }
  func.func @transform_4(%arg0: i32) -> (i32, i32) {
    %c0_i32 = arith.constant 0 : i32
    %c0_i32_0 = arith.constant 0 : i32
    %c0_i32_1 = arith.constant 0 : i32
    return %c0_i32, %c0_i32_0 : i32, i32
  }
  func.func @transform_5(%arg0: i32) -> (i32, i32) {
    %c0_i32 = arith.constant 0 : i32
    %c0_i32_0 = arith.constant 0 : i32
    %c0_i32_1 = arith.constant 0 : i32
    return %c0_i32, %c0_i32_0 : i32, i32
  }
  func.func @transform_6(%arg0: i32) -> (i32, i32) {
    %c0_i32 = arith.constant 0 : i32
    %c0_i32_0 = arith.constant 0 : i32
    return %arg0, %c0_i32 : i32, i32
  }
}

</mosaic_0001>

<sc_bundles>
// kernel: kernel.4.cloned.1.call-start
scs
__scs_entry_jumppad:
0x0: {  	(pc) =	sbr.rel $0x88, $3  }
0x1: {  	(tag) =	ssettag $0x0;
	lr =	simm.s32 $0x1  }
0x2: {  	[smem:$0x3F9D] =	sst lr;
	_ =	strace $0xD0000000  }
0x3: {  	_ = 	snop  }
0x4: {  	_ = 	snop  }
0x5: {  	_ = 	snop  }
0x6: {  	_ = 	snop  }
0x7: {  	_ = 	snop  }
__scs_overlays_trampoline_lowered:
0x8: {  	[smem:$0x3FAC] =	sst s0  }
0x9: {  	[smem:$0x3FAD] =	sst s1  }
0xa: {  	[smem:$0x3FAE] =	sst s2  }
0xb: {  	[smem:$0x3FAF] =	sst s3  }
0xc: {  	[smem:$0x3FB0] =	sst s4  }
0xd: {  	[smem:$0x3FB1] =	sst s5  }
0xe: {  	[smem:$0x3FB2] =	sst s6  }
0xf: {  	[smem:$0x3FB3] =	sst s7  }
0x10: {  	[smem:$0x3FB4] =	sst s8  }
0x11: {  	[smem:$0x3FB5] =	sst s9;
	s0 =	simm.s32 @!p0 $0x0  }
0x12: {  	s1 =	sld [smem:$0x3F9B];
	s0 =	simm.s32 @p0 $0x1  }
0x13: {  	[smem:$0x3FB6] =	sst s0;
	s0 =	simm.s32 @!p1 $0x0  }
0x14: {  	s2 =	sld [smem:$0x3F9A];
	s0 =	simm.s32 @p1 $0x1  }
0x15: {  	[smem:$0x3FB7] =	sst s0;
	s0 =	simm.s32 @!p2 $0x0  }
0x16: {  	s3 =	sld [smem:$0x3FDB];
	s0 =	simm.s32 @p2 $0x1  }
0x17: {  	s4 =	simm.s32 $0x1BF5;
	[smem:$0x3FB9] =	sst s0  }
0x18: {  	s0 =	sld [smem:$0x3F9C];
	_ =	swait.ge [sflag:s4], $0x0  }
0x19: {  	s7 =	sld [smem:$0x3F9D]  }
0x1a: {  	s8 =	sadd.s32 $0xFFFFE003, lr  }
0x1b: {  	s9 =	sadd.s32 $0xFFFFFEF7, lr;
	s5 =	simm.s32 $0xFFFFFFFF;
	p2 =	slt.u32 s8, $0xFFFFF086  }
0x1c: {  	p1 =	slt.u32 s9, $0xF7A;
	s5 =	simm.s32 @!p2 $0x0  }
0x1d: {  	s5 =	simm.s32 @p1 $0x1;
	p0 =	seq.s32 s7, s2  }
0x1e: {  	s7 =	smul.u32 @!p0 $0xF7A, s2;
	p2 =	seq.s32 @!p0 s5, $0x0  }
0x1f: {  	s9 =	smul.u32 $0xF7A, s1;
	s8 =	simm.s32 @!p0 $0x1BF5;
	p2 =	por !p2, p0  }
0x20: {  	[sflag:s8] =	ssyncset.s32 @!p0 $0xFFFFF086;
	s6 =	sadd.s32 @!p0 s3, s7;
	s7 =	simm.s32 @!p0 $0x108  }
0x21: {  	s3 =	sadd.s32 s3, s9;
	s6 =	sadd.s32 @!p0 $0x88, s6;
	s7 =	simm.s32 @p2 $0x1082  }
0x22: {  	[simem:s7], [sflag:s8] =	dma.local @!p0 [hbm:s6], $0xF7A  }
0x23: {  	s9 =	sor.u32 $0xD0000000, s2;
	s6 =	simm.s32 $0x108;
	_ =	swait.ge @!p0 [sflag:s8], $0x0  }
0x24: {  	s3 =	sadd.s32 $0x88, s3;
	s6 =	simm.s32 @!p1 $0x1082;
	[sflag:s4] =	ssyncset.s32 $0xFFFFF086  }
0x25: {  	[simem:s6], [sflag:s4] =	dma.local [hbm:s3], $0xF7A  }
0x26: {  	[smem:$0x3F9D] =	sst s1;
	(tag) =	ssettag s2;
	_ =	strace s9  }
0x27: {  	s1 =	sld [smem:$0x3FAD]  }
0x28: {  	s2 =	sld [smem:$0x3FAE]  }
0x29: {  	s4 =	sld [smem:$0x3FB0]  }
0x2a: {  	p0 =	seq.s32 s5, $0x0;
	s5 =	sld [smem:$0x3FB1]  }
0x2b: {  	s6 =	sld [smem:$0x3FB2]  }
0x2c: {  	s7 =	sld [smem:$0x3FB3]  }
0x2d: {  	s3 =	simm.s32 $0x108;
	s8 =	sld [smem:$0x3FB4]  }
0x2e: {  	s3 =	simm.s32 @!p0 $0x1082;
	s9 =	sld [smem:$0x3FB5]  }
0x2f: {  	lr =	sadd.s32 s0, s3;
	s0 =	sld [smem:$0x3FAC]  }
0x30: {  	s3 =	sld [smem:$0x3FAF]  }
0x31: {  	[smem:$0x3FB8] =	sst s10  }
0x32: {  	s10 =	sld [smem:$0x3FB6];
	_ =	sdelay $0x3  }
0x33: {  	p0 =	seq.s32 s10, $0x1;
	s10 =	sld [smem:$0x3FB8];
	_ =	sdelay $0x3  }
0x34: {  	[smem:$0x3FB8] =	sst s10  }
0x35: {  	s10 =	sld [smem:$0x3FB7];
	_ =	sdelay $0x3  }
0x36: {  	p1 =	seq.s32 s10, $0x1;
	s10 =	sld [smem:$0x3FB8];
	_ =	sdelay $0x3  }
0x37: {  	[smem:$0x3FB8] =	sst s10  }
0x38: {  	s10 =	sld [smem:$0x3FB9]  }
0x39: {  	_ = 	snop;
	(pc) =	sbr.ind lr, $3  }
0x3a: {  	_ = 	snop  }
0x3b: {  	_ = 	snop  }
0x3c: {  	p2 =	seq.s32 s10, $0x1;
	s10 =	sld [smem:$0x3FB8]  }
0x3d: {  	_ =	shalt  }
0x3e: {  	_ =	shalt  }
0x3f: {  	_ =	shalt  }
0x40: {  	_ =	shalt  }
0x41: {  	_ =	shalt  }
0x42: {  	_ =	shalt  }
0x43: {  	_ =	shalt  }
0x44: {  	_ =	shalt  }
0x45: {  	_ =	shalt  }
0x46: {  	_ =	shalt  }
0x47: {  	_ =	shalt  }
0x48: {  	_ =	shalt  }
0x49: {  	_ =	shalt  }
0x4a: {  	_ =	shalt  }
0x4b: {  	_ =	shalt  }
0x4c: {  	_ =	shalt  }
0x4d: {  	_ =	shalt  }
0x4e: {  	_ =	shalt  }
0x4f: {  	_ =	shalt  }
0x50: {  	_ =	shalt  }
0x51: {  	_ =	shalt  }
0x52: {  	_ =	shalt  }
0x53: {  	_ =	shalt  }
0x54: {  	_ =	shalt  }
0x55: {  	_ =	shalt  }
0x56: {  	_ =	shalt  }
0x57: {  	_ =	shalt  }
0x58: {  	_ =	shalt  }
0x59: {  	_ =	shalt  }
0x5a: {  	_ =	shalt  }
0x5b: {  	_ =	shalt  }
0x5c: {  	_ =	shalt  }
0x5d: {  	_ =	shalt  }
0x5e: {  	_ =	shalt  }
0x5f: {  	_ =	shalt  }
0x60: {  	_ =	shalt  }
0x61: {  	_ =	shalt  }
0x62: {  	_ =	shalt  }
0x63: {  	_ =	shalt  }
0x64: {  	_ =	shalt  }
0x65: {  	_ =	shalt  }
0x66: {  	_ =	shalt  }
0x67: {  	_ =	shalt  }
0x68: {  	_ =	shalt  }
0x69: {  	_ =	shalt  }
0x6a: {  	_ =	shalt  }
0x6b: {  	_ =	shalt  }
0x6c: {  	_ =	shalt  }
0x6d: {  	_ =	shalt  }
0x6e: {  	_ =	shalt  }
0x6f: {  	_ =	shalt  }
0x70: {  	_ =	shalt  }
0x71: {  	_ =	shalt  }
0x72: {  	_ =	shalt  }
0x73: {  	_ =	shalt  }
0x74: {  	_ =	shalt  }
0x75: {  	_ =	shalt  }
0x76: {  	_ =	shalt  }
0x77: {  	_ =	shalt  }
0x78: {  	_ =	shalt  }
0x79: {  	_ =	shalt  }
0x7a: {  	_ =	shalt  }
0x7b: {  	_ =	shalt  }
0x7c: {  	_ =	shalt  }
0x7d: {  	_ =	shalt  }
0x7e: {  	_ =	shalt  }
0x7f: {  	_ =	shalt  }
0x80: {  	_ =	shalt  }
0x81: {  	_ =	shalt  }
0x82: {  	_ =	shalt  }
0x83: {  	_ =	shalt  }
0x84: {  	_ =	shalt  }
0x85: {  	_ =	shalt  }
0x86: {  	_ =	shalt  }
0x87: {  	_ =	shalt  }
.Lfunc_end0:
.L_simem_size_0:
called_computation_lowered:
.L_overlay_start_0:
0x88: {  	s2 =	sld [smem:$0x3FD9]  }
0x89: {  	s3 =	sld [smem:$0x3FFE];
	_ =	sdelay $0x1  }
0x8a: {  	s1 =	srdreg.scid  }
0x8b: {  	s0 =	sand.u32 $0x1, s1  }
0x8c: {  	s17 =	sshll.u32 s0, $0xA;
	s2 =	sadd.s32 s3, s2  }
0x8d: {  	s2 =	sadd.s32 s2, s17  }
0x8e: {  	[smem:$0x3FC4] =	sst s2  }
0x8f: {  	_ = 	snop  }
0x90: {  	s2 =	sld [smem:$0x3FD0];
	(tm) =	ssettm $0x1  }
0x91: {  	s18 =	sld [smem:$0x3FFB];
	_ =	sdelay $0x3  }
0x92: {  	_ =	strace s18  }
0x93: {  	s3 =	sld [smem:$0x3FFC];
	_ =	sdelay $0x3  }
0x94: {  	_ =	strace s3  }
0x95: {  	s3 =	sld [smem:$0x3FFD];
	_ =	sdelay $0x3  }
0x96: {  	_ =	strace s3  }
0x97: {  	_ =	strace $0x8FFFFFFF  }
0x98: {  	s19 =	sld [smem:$0x3FDB];
	_ =	sdelay $0x1  }
0x99: {  	s4 =	simm.s32 $_scs_section_size  }
0x9a: {  	s5 =	simm.s32 $_size__tile_overlayer_lowered;
	s6 =	simm.s32 $_tile_overlayer_lowered  }
0x9b: {  	s22 =	simm.s32 $0x1BFF;
	s21 =	sshll.u32 s6, $0x1;
	s3 =	sadd.s32 s4, s19  }
0x9c: {  	s7 =	simm.s32 $0x0;
	s20 =	sshll.u32 s5, $0x1;
	s5 =	sadd.s32 s21, s3  }
0x9d: {  	[timem:s7], [sflag:s22] =	dma.local [hbm:s5], s20  }
0x9e: {  	_ =	swait.ge [sflag:s22], s20  }
0x9f: {  	s4 =	ssub.s32 $0x0, s20;
	[sflag:s22] =	ssyncset.done $0x0  }
0xa0: {  	[sflag:s22] =	ssyncadd.s32 s4;
	_ =	sdelay $0x1  }
0xa1: {  	s23 =	simm.s32 $0x1B8B  }
0xa2: {  	_ =	swait.ge [sflag:s23], $0x1  }
0xa3: {  	[sflag:s23] =	ssyncset.done $0x0  }
0xa4: {  	s25 =	simm.s32 $0x1B8E;
	s24 =	sld [smem:$0x3FFE];
	[sflag:s23] =	ssyncadd.s32 $0xFFFFFFFF  }
0xa5: {  	s26 =	simm.s32 $execute0_lowered;
	[smem:$0x3FD2] =	sst s25  }
0xa6: {  	s5 =	sshll.u32 s26, $0x1;
	_ =	strace $0x80000046;
	[dreg:$0x1] =	wrdreg $0xFFFFFFFF  }
0xa7: {  	s28 =	simm.s32 $_size_execute0_lowered;
	s3 =	sadd.s32 s3, s5;
	[dreg:$0x0] =	wrdreg $0x0  }
0xa8: {  	s5 =	sshll.u32 s28, $0x1;
	[dreg:$0x2] =	wrdreg s3  }
0xa9: {  	[dreg:$0x3] =	wrdreg s5  }
0xaa: {  	[dreg:$0x4] =	wrdreg $0xC0  }
0xab: {  	_ =	task [dreg:s7], $0x5FFFF  }
0xac: {  	[dreg:$0x1] =	wrdreg $0xFFFFFFFF  }
0xad: {  	[dreg:$0x0] =	wrdreg $0x60  }
0xae: {  	[dreg:$0x2] =	wrdreg s2  }
0xaf: {  	[dreg:$0x3] =	wrdreg s24  }
0xb0: {  	[dreg:$0x4] =	wrdreg $0x10E000  }
0xb1: {  	[dreg:$0x5] =	wrdreg $0x1AE000  }
0xb2: {  	[dreg:$0x6] =	wrdreg $0x9  }
0xb3: {  	_ =	task.clear_ibuf [dreg:s7], $0x7FFFF;
	_ =	strace $0x90000046  }
0xb4: {  	s29 =	simm.s32 $0x9;
	_ =	strace $0x80000048  }
0xb5: {  	_ =	swait.ge [sflag:s29], $0x1  }
0xb6: {  	[sflag:s29] =	ssyncadd.s32 $0xFFFFFFFF  }
0xb7: {  	_ =	strace $0x90000048  }
0xb8: {  	_ =	sfence  }
0xb9: {  	s30 =	sld [smem:$0x0];
	_ =	sdelay $0x2  }
0xba: {  	s31 =	sshll.u32 s1, $0xD;
	s1 =	sshrl.u32 s1, $0x2  }
0xbb: {  	s3 =	sand.u32 $0x4000, s31;
	s1 =	sadd.s32 s1, s30  }
0xbc: {  	s0 =	sor.u32 s3, s0;
	s1 =	sshll.u32 s1, $0x11  }
0xbd: {  	s0 =	sor.u32 s1, s0  }
0xbe: {  	s0 =	sadd.s32 $0x8F2B, s0  }
0xbf: {  	[sflag:s0] =	ssyncadd.remote.s32 $0x1  }
0xc0: {  	_ =	sfence.sel $0xFFFF  }
0xc1: {  	[dreg:$0x0] =	wrdreg $0xFFFFFFFF;
	(pc) =	sbr.abs _section_cstart, $3  }
0xc2: {  	[dreg:$0x1] =	wrdreg $0xFFFFFFFF  }
0xc3: {  	_ =	task.clear_ibuf [dreg:s7], $0x2FFFF;
	_ =	strace $0x9FFFFFFF  }
0xc4: {  	(tm) =	ssettm $0x7FFFFFFF  }
0xc5: {  	_ =	shalt  }
tec
execute0_lowered:
.L_overlay_start_1:
0x0: {  	(tag) =	ssettag $0x1  }
0x1: {  	s1 =	rddreg [dreg:$0x0]  }
0x2: {  	s0 =	rddreg [dreg:$0x1];
	s11 =	stileid.u32  }
0x3: {  	s4 =	srdreg.scid;
	s3 =	rddreg [dreg:$0x2]  }
0x4: {  	s6 =	simm.s32 $0x0;
	s28 =	simm.s32 $0x9E00;
	s2 =	smul.u32 $0x9E0, s11  }
0x5: {  	s29 =	simm.s32 $0xBE00;
	s30 =	simm.s32 $0x1;
	s7 =	smul.u32 $0xA000, s11  }
0x6: {  	s5 =	sand.u32 $0x1, s4;
	s4 =	rddreg [dreg:$0x3];
	s10 =	smul.u32 $0x2800, s11  }
0x7: {  	s31 =	simm.s32 $0x2;
	[smem:$0x7FF] =	sst s6;
	s15 =	smul.u32 $0x280, s11  }
0x8: {  	s6 =	sadd.s32 $0x14E00, s0;
	s11 =	simm.s32 $0x9D80;
	s8 =	smul.u32 $0xA0000, s5  }
0x9: {  	s9 =	smul.u32 $0x28000, s5;
	_ =	strace $0x80000047;
	s12 =	ssub.s32 $0x2, s5  }
0xa: {  	p0 =	seq.s32 s5, $0x1;
	s2 =	sadd.s32 s2, s0;
	s13 =	sshrl.u32 s12, $0x1  }
0xb: {  	s16 =	sadd.s32 $0x80, s15;
	s22 =	sadd.s32 $0x180, s15;
	s8 =	sadd.s32 s7, s8  }
0xc: {  	s9 =	sadd.s32 s10, s9;
	s21 =	ssub.s32 s12, s13;
	s14 =	sadd.s32 $0xB000, s2  }
0xd: {  	s2 =	sadd.s32 $0x1200, s2;
	s10 =	sadd.s32 s10, s4;
	s17 =	sshll.u32 s16, $0x6  }
0xe: {  	s23 =	sshll.u32 s22, $0x6;
	s24 =	sshll.u32 s22, $0x4;
	s22 =	simm.s32 $0x3  }
0xf: {  	s8 =	sshrl.u32 s8, $0x3;
	s9 =	sshrl.u32 s9, $0x3;
	[dreg:$0x5] =	wrdreg s14  }
0x10: {  	[dreg:$0x6] =	wrdreg s2;
	s2 =	sshll.u32 s16, $0x4;
	s14 =	sadd.s32 $0x100, s15  }
0x11: {  	s16 =	sadd.s32 s24, s4;
	s21 =	smax.u32 s21, $0x1;
	s24 =	simm.s32 $0xE600  }
0x12: {  	s19 =	sadd.s32 s8, s0;
	s0 =	sadd.s32 s9, s0;
	s9 =	sadd.s32 s7, s3  }
0x13: {  	s7 =	sadd.s32 s17, s3;
	s12 =	sadd.s32 s2, s4;
	s18 =	sshll.u32 s14, $0x6  }
0x14: {  	s20 =	sshll.u32 s14, $0x4;
	s2 =	simm.s32 $0xDE00;
	s8 =	simm.s32 $0x9D00  }
.Ltmp0:
0x15: {  	[dreg:$0x7] =	wrdreg s7;
	s13 =	sadd.s32 s18, s3;
	(pc) =	sbr.rel .LBB2_1-.Ltmp0, $4  }
0x16: {  	s14 =	sadd.s32 s20, s4;
	s18 =	sadd.s32 $0x200, s15;
	s15 =	sadd.s32 s23, s3  }
0x17: {  	s19 =	sadd.s32 $0x28800, s19;
	s20 =	sadd.s32 $0x50800, s0;
	s25 =	sshll.u32 s18, $0x6  }
0x18: {  	s0 =	simm.s32 $0x0;
	s26 =	sshll.u32 s18, $0x4;
	s17 =	sadd.s32 s25, s3  }
0x19: {  	v0 =	vimm.f32 $1.000000000e+00;
	v1 =	vimm.f32 $0.0e+00;
	s18 =	sadd.s32 s26, s4;
	s25 =	simm.s32 $0x10600;
	s26 =	simm.s32 $0x80  }
.LBB2_8:
0x1a: {  	[tilespmem:s29], [sflag:$0x2] =	stream.indirect.gather [hbm4b:s1+s26], $0x40, s5, s26, $0xb8;
	[tilespmem:$0x1D600] =	vst v63  }
0x1b: {  	_ =	swait.ge [sflag:s30], $0x2000  }
0x1c: {  	[sflag:s30] =	ssyncset.done $0x0  }
0x1d: {  	s23 =	simm.s32 $0x9D00;
	[sflag:s30] =	ssyncadd.s32 $0xFFFFE000  }
0x1e: {  	[spmem:s3] =	stream.indirect.scatter.add.f32 [tilespmem:s28], [sflag:$0x3], $0x40, s23, s26, $0xb8;
	[tilespmem:$0x1D600] =	vst v63  }
0x1f: {  	_ =	swait.ge [sflag:s22], $0x2000  }
0x20: {  	[sflag:s22] =	ssyncset.done $0x0  }
0x21: {  	[sflag:s22] =	ssyncadd.s32 $0xFFFFE000  }
0x22: {  	[spmem:s4] =	stream.indirect.scatter.add.f32 [tilespmem:s2], [sflag:$0x3], $0x10, s23, s26, $0xb8;
	[tilespmem:$0x1D600] =	vst v63  }
0x23: {  	_ =	swait.ge [sflag:s22], $0x800  }
0x24: {  	[sflag:s22] =	ssyncset.done $0x0  }
0x25: {  	[sflag:s22] =	ssyncadd.s32 $0xFFFFF800  }
0x26: {  	_ =	swait.ge [sflag:s31], $0x2000  }
0x27: {  	[sflag:s31] =	ssyncset.done $0x0  }
0x28: {  	[sflag:s31] =	ssyncadd.s32 $0xFFFFE000  }
0x29: {  	[spmem:s3] =	stream.indirect.scatter.add.f32 [tilespmem:s29], [sflag:$0x3], $0x40, s11, s26, $0xb8;
	[tilespmem:$0x1D600] =	vst v63  }
0x2a: {  	_ =	swait.ge [sflag:s22], $0x2000  }
0x2b: {  	[sflag:s22] =	ssyncset.done $0x0  }
0x2c: {  	s8 =	simm.s32 $0x9D00;
	[sflag:s22] =	ssyncadd.s32 $0xFFFFE000  }
.LBB2_12:
0x2d: {  	s5 =	stileid.u32  }
0x2e: {  	s5 =	sshll.u32 s5, $0x6  }
0x2f: {  	[bflag:$0x0] =	sbarrier.arrive $0xFFFF;
	s7 =	sshrl.u32 s9, $0x3;
	s5 =	sor.u32 $0x1C03, s5  }
0x30: {  	[hbm:s19], [sflag:s5] =	dma.local [spmem:s7], $0x1400  }
0x31: {  	s0 =	sadd.s32 $0x1, s0;
	_ =	swait.ge [sflag:s22], $0x1400  }
0x32: {  	p1 =	sne.s32 s0, s21;
	[sflag:s22] =	ssyncset.done $0x0  }
.Ltmp1:
0x33: {  	s23 =	sshrl.u32 s10, $0x3;
	[sflag:s22] =	ssyncadd.s32 $0xFFFFEC00;
	(pc) =	sbr.rel @!p1 .LBB2_13-.Ltmp1, $4  }
0x34: {  	[hbm:s20], [sflag:s5] =	dma.local [spmem:s23], $0x500  }
0x35: {  	_ =	swait.ge [sflag:s22], $0x500  }
0x36: {  	[sflag:s22] =	ssyncset.done $0x0  }
0x37: {  	[sflag:s22] =	ssyncadd.s32 $0xFFFFFB00  }
.LBB2_1:
0x38: {  	s5 =	simm.s32 $0x0;
	s7 =	rddreg [dreg:$0x5]  }
0x39: {  	[tilespmem:s5], [sflag:$0x3] =	stream.linear.gather [hbm4b:s7+s5], $0x4F00, $0x38;
	[tilespmem:$0x1D600] =	vst v63  }
0x3a: {  	_ =	swait.ge [sflag:s22], $0x4F00  }
0x3b: {  	[sflag:s22] =	ssyncset.done $0x0  }
0x3c: {  	s7 =	simm.s32 $0x4F00;
	s23 =	rddreg [dreg:$0x6];
	[sflag:s22] =	ssyncadd.s32 $0xFFFFB100  }
0x3d: {  	[tilespmem:s7], [sflag:$0x3] =	stream.linear.gather [hbm4b:s23+s5], $0x4F00, $0x38;
	[tilespmem:$0x1D600] =	vst v63  }
0x3e: {  	_ =	swait.ge [sflag:s22], $0x4F00  }
0x3f: {  	[sflag:s22] =	ssyncset.done $0x0  }
0x40: {  	s5 =	simm.s32 $0x0;
	[sflag:s22] =	ssyncadd.s32 $0xFFFFB100  }
.LBB2_2:
0x41: {  	p1 =	sne.s32 s5, $0x1FC0  }
.Ltmp2:
0x42: {  	_ = 	snop;
	(pc) =	sbr.rel @p1 .LBB2_2-.Ltmp2, $3  }
0x43: {  	_ =	sdelay $0x1  }
0x44: {  	s7 =	sshra.s32 s5, $0x2  }
0x45: {  	s5 =	sadd.s32 $0x40, s5;
	[tilespmem:s7+$0xDE00] =	vst v0  }
0x46: {  	s23 =	simm.s32 $0xE620  }
0x47: {  	[tilespmem:s23+$0x0] =	vst v1  }
0x48: {  	[tilespmem:s23+$0xFFFFFFE0] =	vst v1  }
0x49: {  	[tilespmem:s23+$0x10] =	vst v1  }
0x4a: {  	s5 =	simm.s32 $0x40;
	s7 =	simm.s32 $0x0;
	[tilespmem:s23+$0xFFFFFFF0] =	vst v1  }
.LBB2_4:
0x4b: {  	p1 =	sne.s32 s5, $0x1FC0  }
0x4c: {  	[tilespmem:s7+$0x10600] =	vst v1;
	s23 =	sadd.s32 $0x40, s23;
	s7 =	smov.u32 s5;
	s5 =	sadd.s32 $0x40, s5  }
.Ltmp3:
0x4d: {  	[tilespmem:s23+$0x0] =	vst v1;
	(pc) =	sbr.rel @p1 .LBB2_4-.Ltmp3, $4  }
0x4e: {  	_ = 	snop  }
0x4f: {  	[tilespmem:s23+$0xFFFFFFE0] =	vst v1  }
0x50: {  	[tilespmem:s23+$0x10] =	vst v1  }
0x51: {  	s7 =	sshra.s32 s7, $0x2;
	[tilespmem:s23+$0xFFFFFFF0] =	vst v1  }
0x52: {  	[tilespmem:s7+$0x10600] =	vst v1  }
0x53: {  	[spmem:s9] =	stream.linear.scatter [tilespmem:s24], [sflag:$0x3], $0x2000, $0x38;
	[tilespmem:$0x1D600] =	vst v63  }
0x54: {  	_ =	swait.ge [sflag:s22], $0x2000  }
0x55: {  	[sflag:s22] =	ssyncset.done $0x0  }
0x56: {  	[sflag:s22] =	ssyncadd.s32 $0xFFFFE000  }
0x57: {  	[spmem:s10] =	stream.linear.scatter [tilespmem:s25], [sflag:$0x3], $0x800, $0x38;
	[tilespmem:$0x1D600] =	vst v63  }
0x58: {  	_ =	swait.ge [sflag:s22], $0x800  }
0x59: {  	[sflag:s22] =	ssyncset.done $0x0  }
0x5a: {  	s5 =	rddreg [dreg:$0x7];
	[sflag:s22] =	ssyncadd.s32 $0xFFFFF800  }
0x5b: {  	[spmem:s5] =	stream.linear.scatter [tilespmem:s24], [sflag:$0x3], $0x2000, $0x38;
	[tilespmem:$0x1D600] =	vst v63  }
0x5c: {  	_ =	swait.ge [sflag:s22], $0x2000  }
0x5d: {  	[sflag:s22] =	ssyncset.done $0x0  }
0x5e: {  	[sflag:s22] =	ssyncadd.s32 $0xFFFFE000  }
0x5f: {  	[spmem:s12] =	stream.linear.scatter [tilespmem:s25], [sflag:$0x3], $0x800, $0x38;
	[tilespmem:$0x1D600] =	vst v63  }
0x60: {  	_ =	swait.ge [sflag:s22], $0x800  }
0x61: {  	[sflag:s22] =	ssyncset.done $0x0  }
0x62: {  	[sflag:s22] =	ssyncadd.s32 $0xFFFFF800  }
0x63: {  	[spmem:s13] =	stream.linear.scatter [tilespmem:s24], [sflag:$0x3], $0x2000, $0x38;
	[tilespmem:$0x1D600] =	vst v63  }
0x64: {  	_ =	swait.ge [sflag:s22], $0x2000  }
0x65: {  	[sflag:s22] =	ssyncset.done $0x0  }
0x66: {  	[sflag:s22] =	ssyncadd.s32 $0xFFFFE000  }
0x67: {  	[spmem:s14] =	stream.linear.scatter [tilespmem:s25], [sflag:$0x3], $0x800, $0x38;
	[tilespmem:$0x1D600] =	vst v63  }
0x68: {  	_ =	swait.ge [sflag:s22], $0x800  }
0x69: {  	[sflag:s22] =	ssyncset.done $0x0  }
0x6a: {  	[sflag:s22] =	ssyncadd.s32 $0xFFFFF800  }
0x6b: {  	[spmem:s15] =	stream.linear.scatter [tilespmem:s24], [sflag:$0x3], $0x2000, $0x38;
	[tilespmem:$0x1D600] =	vst v63  }
0x6c: {  	_ =	swait.ge [sflag:s22], $0x2000  }
0x6d: {  	[sflag:s22] =	ssyncset.done $0x0  }
0x6e: {  	[sflag:s22] =	ssyncadd.s32 $0xFFFFE000  }
0x6f: {  	[spmem:s16] =	stream.linear.scatter [tilespmem:s25], [sflag:$0x3], $0x800, $0x38;
	[tilespmem:$0x1D600] =	vst v63  }
0x70: {  	_ =	swait.ge [sflag:s22], $0x800  }
0x71: {  	[sflag:s22] =	ssyncset.done $0x0  }
0x72: {  	[sflag:s22] =	ssyncadd.s32 $0xFFFFF800  }
0x73: {  	[spmem:s17] =	stream.linear.scatter [tilespmem:s24], [sflag:$0x3], $0x2000, $0x38;
	[tilespmem:$0x1D600] =	vst v63  }
0x74: {  	_ =	swait.ge [sflag:s22], $0x2000  }
0x75: {  	[sflag:s22] =	ssyncset.done $0x0  }
0x76: {  	[sflag:s22] =	ssyncadd.s32 $0xFFFFE000  }
0x77: {  	[spmem:s18] =	stream.linear.scatter [tilespmem:s25], [sflag:$0x3], $0x800, $0x38;
	[tilespmem:$0x1D600] =	vst v63  }
.Ltmp4:
0x78: {  	_ =	swait.ge [sflag:s22], $0x800;
	(pc) =	sbr.rel @!p0 .LBB2_6-.Ltmp4, $4  }
0x79: {  	[sflag:s22] =	ssyncset.done $0x0  }
0x7a: {  	[sflag:s22] =	ssyncadd.s32 $0xFFFFF800  }
0x7b: {  	[bflag:$0x0] =	sbarrier.arrive $0xFFFF  }
0x7c: {  	s5 =	simm.s32 $0x0  }
0x7d: {  	[tilespmem:s28], [sflag:$0x1] =	stream.indirect.gather [hbm4b:s6+s26], $0x40, s5, s26, $0xb8;
	[tilespmem:$0x1D600] =	vst v63  }
0x7e: {  	_ = 	snop  }
0x7f: {  	[tilespmem:s29], [sflag:$0x2] =	stream.indirect.gather [hbm4b:s6+s26], $0x40, s26, s26, $0xb8;
	[tilespmem:$0x1D600] =	vst v63  }
0x80: {  	_ =	swait.ge [sflag:s30], $0x2000  }
0x81: {  	[sflag:s30] =	ssyncset.done $0x0  }
0x82: {  	s7 =	simm.s32 $0x4F00;
	[sflag:s30] =	ssyncadd.s32 $0xFFFFE000  }
0x83: {  	[spmem:s3] =	stream.indirect.scatter.add.f32 [tilespmem:s28], [sflag:$0x3], $0x40, s7, s26, $0xb8;
	[tilespmem:$0x1D600] =	vst v63  }
0x84: {  	_ =	swait.ge [sflag:s22], $0x2000  }
0x85: {  	[sflag:s22] =	ssyncset.done $0x0  }
0x86: {  	s11 =	simm.s32 $0x100;
	[sflag:s22] =	ssyncadd.s32 $0xFFFFE000  }
0x87: {  	[tilespmem:s28], [sflag:$0x1] =	stream.indirect.gather [hbm4b:s6+s26], $0x40, s11, s26, $0xb8;
	[tilespmem:$0x1D600] =	vst v63  }
0x88: {  	_ =	swait.ge [sflag:s31], $0x2000  }
0x89: {  	[sflag:s31] =	ssyncset.done $0x0  }
0x8a: {  	s23 =	simm.s32 $0x4F80;
	[sflag:s31] =	ssyncadd.s32 $0xFFFFE000  }
0x8b: {  	[spmem:s3] =	stream.indirect.scatter.add.f32 [tilespmem:s29], [sflag:$0x3], $0x40, s23, s26, $0xb8;
	[tilespmem:$0x1D600] =	vst v63  }
0x8c: {  	_ =	swait.ge [sflag:s22], $0x2000  }
0x8d: {  	[sflag:s22] =	ssyncset.done $0x0  }
0x8e: {  	[sflag:s22] =	ssyncadd.s32 $0xFFFFE000  }
0x8f: {  	[spmem:s4] =	stream.indirect.scatter.add.f32 [tilespmem:s2], [sflag:$0x3], $0x10, s23, s26, $0xb8;
	[tilespmem:$0x1D600] =	vst v63  }
0x90: {  	_ =	swait.ge [sflag:s22], $0x800  }
0x91: {  	[sflag:s22] =	ssyncset.done $0x0  }
0x92: {  	s5 =	simm.s32 $0x180;
	s23 =	simm.s32 $0x400;
	[sflag:s22] =	ssyncadd.s32 $0xFFFFF800  }
.LBB2_10:
0x93: {  	[tilespmem:s29], [sflag:$0x2] =	stream.indirect.gather [hbm4b:s6+s26], $0x40, s5, s26, $0xb8;
	[tilespmem:$0x1D600] =	vst v63  }
0x94: {  	s5 =	smov.u32 s23  }
0x95: {  	p1 =	sne.s32 s23, $0x13400;
	s23 =	sadd.s32 $0x400, s23;
	_ =	swait.ge [sflag:s30], $0x2000  }
0x96: {  	s5 =	sshra.s32 s5, $0x2;
	[sflag:s30] =	ssyncset.done $0x0  }
0x97: {  	s7 =	sadd.s32 $0x4F00, s5;
	[sflag:s30] =	ssyncadd.s32 $0xFFFFE000  }
0x98: {  	[spmem:s3] =	stream.indirect.scatter.add.f32 [tilespmem:s28], [sflag:$0x3], $0x40, s7, s26, $0xb8;
	[tilespmem:$0x1D600] =	vst v63  }
0x99: {  	_ =	swait.ge [sflag:s22], $0x2000  }
0x9a: {  	[sflag:s22] =	ssyncset.done $0x0  }
0x9b: {  	s7 =	sadd.s32 $0x100, s5;
	[sflag:s22] =	ssyncadd.s32 $0xFFFFE000  }
0x9c: {  	[tilespmem:s28], [sflag:$0x1] =	stream.indirect.gather [hbm4b:s6+s26], $0x40, s7, s26, $0xb8;
	[tilespmem:$0x1D600] =	vst v63  }
0x9d: {  	_ =	swait.ge [sflag:s31], $0x2000  }
0x9e: {  	[sflag:s31] =	ssyncset.done $0x0  }
0x9f: {  	s7 =	sadd.s32 $0x4F80, s5;
	[sflag:s31] =	ssyncadd.s32 $0xFFFFE000  }
0xa0: {  	[spmem:s3] =	stream.indirect.scatter.add.f32 [tilespmem:s29], [sflag:$0x3], $0x40, s7, s26, $0xb8;
	[tilespmem:$0x1D600] =	vst v63  }
0xa1: {  	_ =	swait.ge [sflag:s22], $0x2000  }
0xa2: {  	[sflag:s22] =	ssyncset.done $0x0  }
.Ltmp5:
0xa3: {  	[sflag:s22] =	ssyncadd.s32 $0xFFFFE000;
	(pc) =	sbr.rel @p1 .LBB2_10-.Ltmp5, $4  }
0xa4: {  	[spmem:s4] =	stream.indirect.scatter.add.f32 [tilespmem:s2], [sflag:$0x3], $0x10, s7, s26, $0xb8;
	[tilespmem:$0x1D600] =	vst v63  }
0xa5: {  	_ =	swait.ge [sflag:s22], $0x800  }
0xa6: {  	[sflag:s22] =	ssyncset.done $0x0  }
0xa7: {  	s5 =	sadd.s32 $0x180, s5;
	[sflag:s22] =	ssyncadd.s32 $0xFFFFF800  }
0xa8: {  	[tilespmem:s29], [sflag:$0x2] =	stream.indirect.gather [hbm4b:s6+s26], $0x40, s5, s26, $0xb8;
	[tilespmem:$0x1D600] =	vst v63  }
0xa9: {  	_ =	swait.ge [sflag:s30], $0x2000  }
0xaa: {  	[sflag:s30] =	ssyncset.done $0x0  }
0xab: {  	[sflag:s30] =	ssyncadd.s32 $0xFFFFE000  }
0xac: {  	[spmem:s3] =	stream.indirect.scatter.add.f32 [tilespmem:s28], [sflag:$0x3], $0x40, s8, s26, $0xb8;
	[tilespmem:$0x1D600] =	vst v63  }
0xad: {  	_ =	swait.ge [sflag:s22], $0x2000  }
0xae: {  	[sflag:s22] =	ssyncset.done $0x0  }
0xaf: {  	[sflag:s22] =	ssyncadd.s32 $0xFFFFE000  }
0xb0: {  	_ =	swait.ge [sflag:s31], $0x2000  }
0xb1: {  	[sflag:s31] =	ssyncset.done $0x0  }
0xb2: {  	s23 =	simm.s32 $0x9D80;
	[sflag:s31] =	ssyncadd.s32 $0xFFFFE000  }
0xb3: {  	[spmem:s3] =	stream.indirect.scatter.add.f32 [tilespmem:s29], [sflag:$0x3], $0x40, s23, s26, $0xb8;
	[tilespmem:$0x1D600] =	vst v63  }
0xb4: {  	_ =	swait.ge [sflag:s22], $0x2000  }
0xb5: {  	[sflag:s22] =	ssyncset.done $0x0  }
.Ltmp6:
0xb6: {  	[sflag:s22] =	ssyncadd.s32 $0xFFFFE000;
	(pc) =	sbr.rel .LBB2_12-.Ltmp6, $4  }
0xb7: {  	[spmem:s4] =	stream.indirect.scatter.add.f32 [tilespmem:s2], [sflag:$0x3], $0x10, s23, s26, $0xb8;
	[tilespmem:$0x1D600] =	vst v63  }
0xb8: {  	_ =	swait.ge [sflag:s22], $0x800  }
0xb9: {  	[sflag:s22] =	ssyncset.done $0x0  }
0xba: {  	s11 =	simm.s32 $0x9D80;
	[sflag:s22] =	ssyncadd.s32 $0xFFFFF800  }
.LBB2_6:
0xbb: {  	[tilespmem:s28], [sflag:$0x1] =	stream.indirect.gather [hbm4b:s1+s26], $0x40, s5, s26, $0xb8;
	[tilespmem:$0x1D600] =	vst v63  }
0xbc: {  	_ = 	snop  }
0xbd: {  	[tilespmem:s29], [sflag:$0x2] =	stream.indirect.gather [hbm4b:s1+s26], $0x40, s26, s26, $0xb8;
	[tilespmem:$0x1D600] =	vst v63  }
0xbe: {  	_ =	swait.ge [sflag:s30], $0x2000  }
0xbf: {  	[sflag:s30] =	ssyncset.done $0x0  }
0xc0: {  	s7 =	simm.s32 $0x4F00;
	[sflag:s30] =	ssyncadd.s32 $0xFFFFE000  }
0xc1: {  	[spmem:s3] =	stream.indirect.scatter.add.f32 [tilespmem:s28], [sflag:$0x3], $0x40, s7, s26, $0xb8;
	[tilespmem:$0x1D600] =	vst v63  }
0xc2: {  	_ =	swait.ge [sflag:s22], $0x2000  }
0xc3: {  	[sflag:s22] =	ssyncset.done $0x0  }
0xc4: {  	[sflag:s22] =	ssyncadd.s32 $0xFFFFE000  }
0xc5: {  	[spmem:s4] =	stream.indirect.scatter.add.f32 [tilespmem:s2], [sflag:$0x3], $0x10, s7, s26, $0xb8;
	[tilespmem:$0x1D600] =	vst v63  }
0xc6: {  	_ =	swait.ge [sflag:s22], $0x800  }
0xc7: {  	[sflag:s22] =	ssyncset.done $0x0  }
0xc8: {  	s8 =	simm.s32 $0x100;
	[sflag:s22] =	ssyncadd.s32 $0xFFFFF800  }
0xc9: {  	[tilespmem:s28], [sflag:$0x1] =	stream.indirect.gather [hbm4b:s1+s26], $0x40, s8, s26, $0xb8;
	[tilespmem:$0x1D600] =	vst v63  }
0xca: {  	_ =	swait.ge [sflag:s31], $0x2000  }
0xcb: {  	[sflag:s31] =	ssyncset.done $0x0  }
0xcc: {  	s23 =	simm.s32 $0x4F80;
	[sflag:s31] =	ssyncadd.s32 $0xFFFFE000  }
0xcd: {  	[spmem:s3] =	stream.indirect.scatter.add.f32 [tilespmem:s29], [sflag:$0x3], $0x40, s23, s26, $0xb8;
	[tilespmem:$0x1D600] =	vst v63  }
0xce: {  	_ =	swait.ge [sflag:s22], $0x2000  }
0xcf: {  	[sflag:s22] =	ssyncset.done $0x0  }
0xd0: {  	s5 =	simm.s32 $0x180;
	s23 =	simm.s32 $0x400;
	[sflag:s22] =	ssyncadd.s32 $0xFFFFE000  }
.LBB2_7:
0xd1: {  	[tilespmem:s29], [sflag:$0x2] =	stream.indirect.gather [hbm4b:s1+s26], $0x40, s5, s26, $0xb8;
	[tilespmem:$0x1D600] =	vst v63  }
0xd2: {  	s5 =	smov.u32 s23  }
0xd3: {  	p1 =	sne.s32 s23, $0x13400;
	s23 =	sadd.s32 $0x400, s23;
	_ =	swait.ge [sflag:s30], $0x2000  }
0xd4: {  	s5 =	sshra.s32 s5, $0x2;
	[sflag:s30] =	ssyncset.done $0x0  }
0xd5: {  	s7 =	sadd.s32 $0x4F00, s5;
	[sflag:s30] =	ssyncadd.s32 $0xFFFFE000  }
0xd6: {  	[spmem:s3] =	stream.indirect.scatter.add.f32 [tilespmem:s28], [sflag:$0x3], $0x40, s7, s26, $0xb8;
	[tilespmem:$0x1D600] =	vst v63  }
0xd7: {  	_ =	swait.ge [sflag:s22], $0x2000  }
0xd8: {  	[sflag:s22] =	ssyncset.done $0x0  }
0xd9: {  	[sflag:s22] =	ssyncadd.s32 $0xFFFFE000  }
0xda: {  	[spmem:s4] =	stream.indirect.scatter.add.f32 [tilespmem:s2], [sflag:$0x3], $0x10, s7, s26, $0xb8;
	[tilespmem:$0x1D600] =	vst v63  }
0xdb: {  	_ =	swait.ge [sflag:s22], $0x800  }
0xdc: {  	[sflag:s22] =	ssyncset.done $0x0  }
0xdd: {  	s7 =	sadd.s32 $0x100, s5;
	[sflag:s22] =	ssyncadd.s32 $0xFFFFF800  }
0xde: {  	[tilespmem:s28], [sflag:$0x1] =	stream.indirect.gather [hbm4b:s1+s26], $0x40, s7, s26, $0xb8;
	[tilespmem:$0x1D600] =	vst v63  }
0xdf: {  	_ =	swait.ge [sflag:s31], $0x2000  }
0xe0: {  	[sflag:s31] =	ssyncset.done $0x0  }
.Ltmp7:
0xe1: {  	s7 =	sadd.s32 $0x4F80, s5;
	[sflag:s31] =	ssyncadd.s32 $0xFFFFE000;
	(pc) =	sbr.rel @p1 .LBB2_7-.Ltmp7, $4  }
0xe2: {  	[spmem:s3] =	stream.indirect.scatter.add.f32 [tilespmem:s29], [sflag:$0x3], $0x40, s7, s26, $0xb8;
	[tilespmem:$0x1D600] =	vst v63  }
0xe3: {  	_ =	swait.ge [sflag:s22], $0x2000  }
0xe4: {  	[sflag:s22] =	ssyncset.done $0x0  }
0xe5: {  	s5 =	sadd.s32 $0x180, s5;
	[sflag:s22] =	ssyncadd.s32 $0xFFFFE000  }
.Ltmp8:
0xe6: {  	_ = 	snop;
	(pc) =	sbr.rel .LBB2_8-.Ltmp8, $1  }
0xe7: {  	_ =	sdelay $0x3  }
.LBB2_13:
0xe8: {  	_ =	sfence.sel $0x180000  }
0xe9: {  	[bflag:$0x0] =	sbarrier.arrive $0xFFFF  }
0xea: {  	_ =	strace $0x90000047  }
0xeb: {  	s0 =	stileid.u32;
	[bflag:$0x2] =	sbarrier.arrive $0xFFFF  }
0xec: {  	p0 =	sne.s32 s0, $0x0;
	s0 =	rddreg [dreg:$0x4]  }
0xed: {  	s0 =	sadd.s32 @!p0 $0x100000, s0  }
0xee: {  	[sflag:s0] =	ssyncadd.tile.s32 @!p0 $0x1;
	_ =	shalt  }
.Lfunc_end2:
_tile_overlayer_lowered:
.L_overlay_start_2:
0xef: {  	(tag) =	ssettag $0x2  }
0xf0: {  	s0 =	rddreg [dreg:$0x0];
	s2 =	stileid.u32  }
0xf1: {  	s1 =	rddreg [dreg:$0x1];
	p0 =	sne.s32 s2, $0x0  }
0xf2: {  	s3 =	rddreg [dreg:$0x2];
	[bflag:$0x3] =	sbarrier.arrive $0xFFFF;
	s2 =	simm.s32 @!p0 $0x1C03  }
0xf3: {  	[timem:s3], [sflag:s2] =	dma.local @!p0 [hbm:s0], s1  }
0xf4: {  	s0 =	simm.s32 @!p0 $0x3  }
0xf5: {  	_ =	swait.ge @!p0 [sflag:s0], s1  }
0xf6: {  	s1 =	ssub.s32 @!p0 $0x0, s1;
	[sflag:s0] =	ssyncset.done @!p0 $0x0  }
0xf7: {  	[sflag:s0] =	ssyncadd.s32 @!p0 s1  }
0xf8: {  	[bflag:$0x3] =	sbarrier.arrive $0xFFFF  }
0xf9: {  	_ =	shalt  }

</sc_bundles>
